<compile_context>
chip_gen: v7x
topology: tpu7x:2x2x1
jax: 0.10.2.dev20260603
libtpu: 0.0.44.dev20260713+nightly
codegen_flags: <defaults>
</compile_context>

<pallas_src>
import functools
import math

import jax
import jax.numpy as jnp
from jax import lax
from jax.experimental import pallas as pl
from jax.experimental.pallas import tpu as pltpu
from jax.experimental.pallas import tpu_sc as plsc

N = 10000
E = 160000
IN = 32
OUT = 32
NEF = 16
TD = 128
INV_SQRT_FAN = 1.0 / math.sqrt(IN * 1)

NC = 2
NS = 16
NW = NC * NS
CHUNK = 128
NCHUNKS = E // CHUNK
ROWS_PER_TILE = N // NS

P = 8
BE = 6400
R = BE // P
GRID = E // BE


def _node_gates_body(t_ref, na_ref, wtin_ref, btin_ref, wtout_ref, btout_ref,
                     nag_ref, go_ref):
    t = t_ref[...]
    st = t * jax.nn.sigmoid(t)
    gi = jnp.dot(st, wtin_ref[...], preferred_element_type=jnp.float32) + btin_ref[...]
    go = jnp.dot(st, wtout_ref[...], preferred_element_type=jnp.float32) + btout_ref[...]
    nag_ref[...] = na_ref[...] * gi
    go_ref[...] = go


def _node_gates(time, node_attr, W_tin, b_tin, W_tout, b_tout):
    return pl.pallas_call(
        _node_gates_body,
        out_shape=(
            jax.ShapeDtypeStruct((N, IN), jnp.float32),
            jax.ShapeDtypeStruct((N, OUT), jnp.float32),
        ),
    )(time, node_attr, W_tin, b_tin.reshape(1, IN), W_tout, b_tout.reshape(1, OUT))


def _gather_body(na_hbm, idx_hbm, out_hbm, idx_v, rows_v, sem):
    wid = lax.axis_index("s") * NC + lax.axis_index("c")
    nch = NCHUNKS // NW + jnp.where(wid < NCHUNKS % NW, 1, 0)

    def body(c, carry):
        base = (wid + NW * c) * CHUNK
        pltpu.sync_copy(idx_hbm.at[pl.ds(base, CHUNK)], idx_v)
        pltpu.async_copy(na_hbm.at[idx_v], rows_v, sem).wait()
        pltpu.sync_copy(rows_v, out_hbm.at[pl.ds(base, CHUNK)])
        return carry

    lax.fori_loop(0, nch, body, 0)


def _gather_rows(na, dst):
    mesh = plsc.VectorSubcoreMesh(core_axis_name="c", subcore_axis_name="s")
    f = functools.partial(
        pl.kernel,
        out_type=jax.ShapeDtypeStruct((E, IN), jnp.float32),
        mesh=mesh,
        scratch_types=[
            pltpu.VMEM((CHUNK,), jnp.int32),
            pltpu.VMEM((CHUNK, IN), jnp.float32),
            pltpu.SemaphoreType.DMA,
        ],
        compiler_params=pltpu.CompilerParams(use_tc_tiling_on_sc=False),
    )(_gather_body)
    return f(na, dst)


def _edge_body(eap_ref, etp_ref, xp_ref, shx_ref, wada_ref, bada_ref,
               wpre_ref, bpre_ref, w1_ref, b1_ref, w2g_ref, hx_ref,
               xb_ref, tp_ref):
    etp = etp_ref[...]
    stp = etp * jax.nn.sigmoid(etp)
    adap = jnp.dot(stp, wada_ref[...], preferred_element_type=jnp.float32)
    adap = adap + bada_ref[...]
    prep = jnp.dot(eap_ref[...], wpre_ref[...],
                   preferred_element_type=jnp.float32) + bpre_ref[...]
    segs = []
    for k in range(P):
        shift = adap[:, 32 * k:32 * k + 16]
        scale = adap[:, 32 * k + 16:32 * k + 32]
        segs.append(prep[:, 16 * k:16 * k + 16] * (1.0 + scale) + shift)
    modp = jnp.concatenate(segs, axis=1)
    hp = jnp.dot(modp, w1_ref[...], preferred_element_type=jnp.float32)
    hp = jnp.maximum(hp + b1_ref[...], 0.0)
    xs = xp_ref[...] * shx_ref[...]
    acc = jnp.dot(xs, xb_ref[...], preferred_element_type=jnp.float32)
    for j in range(NEF):
        gj = jnp.dot(xs, w2g_ref[:, j * P * OUT:(j + 1) * P * OUT],
                     preferred_element_type=jnp.float32)
        hj = jnp.dot(hp, hx_ref[:, j * P * OUT:(j + 1) * P * OUT],
                     preferred_element_type=jnp.float32)
        acc = acc + gj * hj
    tp_ref[...] = acc


def _edge_tp(eap, etp, xp, shx, Wada_bd, bada_t, Wpre_bd, bpre_t, W1_bd, b1_t,
             W2G, HX, XB):
    full = lambda s: pl.BlockSpec(s, lambda i: (0, 0))
    return pl.pallas_call(
        _edge_body,
        grid=(GRID,),
        in_specs=[
            pl.BlockSpec((R, P * NEF), lambda i: (i, 0)),
            pl.BlockSpec((R, P * TD), lambda i: (i, 0)),
            pl.BlockSpec((R, P * IN), lambda i: (i, 0)),
            pl.BlockSpec((R, P * IN), lambda i: (i, 0)),
            full((P * TD, P * 2 * NEF)),
            full((1, P * 2 * NEF)),
            full((P * NEF, P * NEF)),
            full((1, P * NEF)),
            full((P * NEF, P * NEF)),
            full((1, P * NEF)),
            full((P * IN, NEF * P * OUT)),
            full((P * NEF, NEF * P * OUT)),
            full((P * IN, P * OUT)),
        ],
        out_specs=pl.BlockSpec((R, P * OUT), lambda i: (i, 0)),
        out_shape=jax.ShapeDtypeStruct((E // P, P * OUT), jnp.float32),
    )(eap, etp, xp, shx, Wada_bd, bada_t, Wpre_bd, bpre_t, W1_bd, b1_t,
      W2G, HX, XB)


def _scatter_body(tp_hbm, src_hbm, zsum_hbm, zcnt_hbm, sums_hbm, cnts_hbm,
                  idx_v, tp_v, ones_v, acc_sh, cnt_sh):
    cid = lax.axis_index("c")
    sid = lax.axis_index("s")
    wid = sid * NC + cid
    row0 = sid * ROWS_PER_TILE

    def fill(i, carry):
        ones_v[i, :] = jnp.full((16,), 1.0, jnp.float32)
        return carry
    lax.fori_loop(0, CHUNK, fill, 0)

    pltpu.sync_copy(zsum_hbm.at[pl.ds(row0, ROWS_PER_TILE)],
                    acc_sh.at[pl.ds(row0, ROWS_PER_TILE)])
    pltpu.sync_copy(zcnt_hbm.at[pl.ds(row0, ROWS_PER_TILE)],
                    cnt_sh.at[pl.ds(row0, ROWS_PER_TILE)])
    plsc.subcore_barrier()

    nch = NCHUNKS // NW + jnp.where(wid < NCHUNKS % NW, 1, 0)

    def body(c, carry):
        base = (wid + NW * c) * CHUNK
        pltpu.sync_copy(src_hbm.at[pl.ds(base, CHUNK)], idx_v)
        pltpu.sync_copy(tp_hbm.at[pl.ds(base, CHUNK)], tp_v)
        pltpu.sync_copy(tp_v, acc_sh.at[idx_v], add=True)
        pltpu.sync_copy(ones_v, cnt_sh.at[idx_v], add=True)
        return carry

    lax.fori_loop(0, nch, body, 0)
    plsc.subcore_barrier()

    pltpu.sync_copy(acc_sh.at[pl.ds(row0, ROWS_PER_TILE)],
                    sums_hbm.at[cid, pl.ds(row0, ROWS_PER_TILE)])
    pltpu.sync_copy(cnt_sh.at[pl.ds(row0, ROWS_PER_TILE)],
                    cnts_hbm.at[cid, pl.ds(row0, ROWS_PER_TILE)])


def _scatter_mean_partials(tp, src):
    mesh = plsc.VectorSubcoreMesh(core_axis_name="c", subcore_axis_name="s")
    zsum = jnp.zeros((N, OUT), jnp.float32)
    zcnt = jnp.zeros((N, 16), jnp.float32)
    f = functools.partial(
        pl.kernel,
        out_type=(
            jax.ShapeDtypeStruct((NC, N, OUT), jnp.float32),
            jax.ShapeDtypeStruct((NC, N, 16), jnp.float32),
        ),
        mesh=mesh,
        scratch_types=[
            pltpu.VMEM((CHUNK,), jnp.int32),
            pltpu.VMEM((CHUNK, OUT), jnp.float32),
            pltpu.VMEM((CHUNK, 16), jnp.float32),
            pltpu.VMEM_SHARED((N, OUT), jnp.float32),
            pltpu.VMEM_SHARED((N, 16), jnp.float32),
        ],
        compiler_params=pltpu.CompilerParams(use_tc_tiling_on_sc=False),
    )(_scatter_body)
    return f(tp, src, zsum, zcnt)


def _final_body(s_ref, c_ref, go_ref, na_ref, out_ref):
    s = s_ref[0] + s_ref[1]
    c = c_ref[0] + c_ref[1]
    cnt = jnp.clip(c[:, 0:1], 1.0, None)
    out_ref[...] = s / cnt * go_ref[...] + na_ref[...]


def _finalize(sums, cnts, go, node_attr):
    return pl.pallas_call(
        _final_body,
        out_shape=jax.ShapeDtypeStruct((N, OUT), jnp.float32),
    )(sums, cnts, go, node_attr)


def kernel(node_attr, edge_index, edge_attr, edge_sh, time, edge_time,
           W_fc_pre, b_fc_pre, W_ada, b_ada, W_fc1, b_fc1, W_fc2, b_fc2,
           W_tin, b_tin, W_tout, b_tout):
    eyeP = jnp.eye(P, dtype=jnp.float32)
    Wada_bd = jnp.einsum('ab,tc->atbc', eyeP, W_ada).reshape(P * TD, P * 2 * NEF)
    bada_t = jnp.tile(b_ada, P).reshape(1, P * 2 * NEF)
    Wpre_bd = jnp.einsum('ab,fc->afbc', eyeP, W_fc_pre).reshape(P * NEF, P * NEF)
    bpre_t = jnp.tile(b_fc_pre, P).reshape(1, P * NEF)
    W1_bd = jnp.einsum('ab,fc->afbc', eyeP, W_fc1).reshape(P * NEF, P * NEF)
    b1_t = jnp.tile(b_fc1, P).reshape(1, P * NEF)
    W2t = W_fc2.reshape(NEF, IN, OUT).transpose(1, 0, 2)
    W2G = jnp.einsum('ab,ijm->aijbm', eyeP, W2t).reshape(P * IN, NEF * P * OUT)
    HX = jnp.einsum('ab,cd,m->acdbm', eyeP, jnp.eye(NEF, dtype=jnp.float32),
                    jnp.ones((OUT,), jnp.float32)).reshape(P * NEF, NEF * P * OUT)
    b2r = b_fc2.reshape(IN, OUT)
    XB = jnp.einsum('ab,im->aibm', eyeP, b2r).reshape(P * IN, P * OUT)

    eap = edge_attr.reshape(E // P, P * NEF)
    etp = edge_time.reshape(E // P, P * TD)
    shx = jnp.broadcast_to(edge_sh * INV_SQRT_FAN, (E, IN)).reshape(E // P, P * IN)

    src = edge_index[0]
    dst = edge_index[1]

    na, go = _node_gates(time, node_attr, W_tin, b_tin, W_tout, b_tout)
    xg = _gather_rows(na, dst)
    xp = xg.reshape(E // P, P * IN)
    tpp = _edge_tp(eap, etp, xp, shx, Wada_bd, bada_t, Wpre_bd, bpre_t,
                   W1_bd, b1_t, W2G, HX, XB)
    tp = tpp.reshape(E, OUT)
    sums, cnts = _scatter_mean_partials(tp, src)
    return _finalize(sums, cnts, go, node_attr)

# --- scband reference (transcript-rebuilt; emitter-appended) ---
"""Pipeline reference for scband-tensor-product-conv-layer-time-42588895707435 (READ-ONLY COPY).

The authoritative reference and input builder live on the scoring server;
editing this copy changes nothing except your own understanding.
"""

import jax, jax.numpy as jnp
import numpy as np

N = 10000
E = 160000
IN = 32   # 32x0e -> 32 scalar channels, num_irreps = 32
SH = 1    # 1x0e
OUT = 32  # 32x0e
NEF = 16  # n_edge_features
TD = 128  # time_dim
WEIGHT_NUMEL = IN * SH * OUT
SQRT_FAN = float(np.sqrt(IN * SH))  # e3nn path normalization for FullyConnectedTensorProduct (all-scalar irreps)


def setup_inputs(seed: int = 0) -> dict:
    key = jax.random.key(seed)
    ks = jax.random.split(key, 20)
    inp = {}
    inp['node_attr'] = jax.random.normal(ks[0], (N, IN), dtype=jnp.float32)
    inp['edge_index'] = jax.random.randint(ks[1], (2, E), 0, N)
    inp['edge_attr'] = jax.random.normal(ks[2], (E, NEF), dtype=jnp.float32)
    inp['edge_sh'] = jax.random.normal(ks[3], (E, SH), dtype=jnp.float32)
    inp['time'] = jax.random.normal(ks[4], (N, TD), dtype=jnp.float32)
    inp['edge_time'] = jax.random.normal(ks[5], (E, TD), dtype=jnp.float32)
    # learned parameters
    inp['W_fc_pre'] = jax.random.normal(ks[6], (NEF, NEF), dtype=jnp.float32) / np.sqrt(NEF)
    inp['b_fc_pre'] = jnp.zeros((NEF,), dtype=jnp.float32)
    inp['W_ada'] = jax.random.normal(ks[7], (TD, 2 * NEF), dtype=jnp.float32) / np.sqrt(TD)
    inp['b_ada'] = jnp.zeros((2 * NEF,), dtype=jnp.float32)
    inp['W_fc1'] = jax.random.normal(ks[8], (NEF, NEF), dtype=jnp.float32) / np.sqrt(NEF)
    inp['b_fc1'] = jnp.zeros((NEF,), dtype=jnp.float32)
    inp['W_fc2'] = jax.random.normal(ks[9], (NEF, WEIGHT_NUMEL), dtype=jnp.float32) / np.sqrt(NEF)
    inp['b_fc2'] = jnp.zeros((WEIGHT_NUMEL,), dtype=jnp.float32)
    inp['W_tin'] = jax.random.normal(ks[10], (TD, IN), dtype=jnp.float32) / np.sqrt(TD)
    inp['b_tin'] = jnp.zeros((IN,), dtype=jnp.float32)
    inp['W_tout'] = jax.random.normal(ks[11], (TD, OUT), dtype=jnp.float32) / np.sqrt(TD)
    inp['b_tout'] = jnp.zeros((OUT,), dtype=jnp.float32)
    return inp


def reference(node_attr, edge_index, edge_attr, edge_sh, time, edge_time,
              W_fc_pre, b_fc_pre, W_ada, b_ada, W_fc1, b_fc1, W_fc2, b_fc2,
              W_tin, b_tin, W_tout, b_tout):
    silu = jax.nn.silu
    # norm='none', ffn=False -> norm1/norm2/ffn1/ffn2 skipped
    # gate_in: elementwise tensor product of 32x0e with 32x0e gates (pure scalar -> elementwise mul)
    gates_in = silu(time) @ W_tin + b_tin                      # time_mlp_in
    node_attr_ = node_attr * gates_in
    edge_src = edge_index[0]
    edge_dst = edge_index[1]
    # edge feature modulation (adaLN): modulate(fc_pre(edge_attr), shift, scale)
    ea = edge_attr @ W_fc_pre + b_fc_pre
    ada = silu(edge_time) @ W_ada + b_ada
    shift = ada[:, :NEF]
    scale = ada[:, NEF:]
    ea = ea * (1.0 + scale) + shift
    # fc -> per-edge tensor-product weights
    h = jax.nn.relu(ea @ W_fc1 + b_fc1)
    w = (h @ W_fc2 + b_fc2).reshape(-1, IN, SH, OUT)
    # FullyConnectedTensorProduct (all 0e irreps): bilinear with path normalization 1/sqrt(fan_in)
    x_e = node_attr_[edge_dst]                                 # gather dst node features per edge
    tp = jnp.einsum('ei,eisk,es->ek', x_e, w, edge_sh) / SQRT_FAN
    # scatter(..., reduce='mean') over edge_src
    out_nodes = node_attr.shape[0]
    sums = jax.ops.segment_sum(tp, edge_src, num_segments=out_nodes)
    counts = jax.ops.segment_sum(jnp.ones((tp.shape[0],), dtype=jnp.float32), edge_src, num_segments=out_nodes)
    out = sums / jnp.clip(counts, 1.0, None)[:, None]
    # gate_out
    gates_out = silu(time) @ W_tout + b_tout
    out = out * gates_out
    # residual: out[:, :in_dim] += node_attr (in_dim == out_dim here)
    out = out + node_attr
    return out

if __name__ == "__main__":
    import jax
    _d = setup_inputs()
    print(jax.jit(kernel)(*tuple(_d.values())))

</pallas_src>

<mosaic_0001>
#map = affine_map<(d0, d1) -> (0, 0)>
#map1 = affine_map<(d0, d1) -> (0)>
module attributes {stable_mosaic.version = 14 : i64} {
  func.func @_gather_body(%arg0: i32, %arg1: i32, %arg2: memref<10000x32xf32, #tpu.memory_space<hbm>>, %arg3: memref<160000xi32, #tpu.memory_space<hbm>>, %arg4: memref<160000x32xf32, #tpu.memory_space<hbm>>, %arg5: memref<128xi32, #tpu.memory_space<vmem>>, %arg6: memref<128x32xf32, #tpu.memory_space<vmem>>, %arg7: memref<!tpu.dma_semaphore, #tpu.memory_space<semaphore_mem>>) attributes {dimension_semantics = [#tpu.dimension_semantics<core_parallel>, #tpu.dimension_semantics<subcore_parallel>], iteration_bounds = array<i64: 2, 16>, scalar_prefetch = 0 : i64, scratch_operands = 3 : i64, tpu.core_type = #tpu.core_type<sc_vector_subcore>, window_params = [{transform_indices = #map}, {transform_indices = #map1}, {transform_indices = #map}]} {
    %mul3A = arith.constant 2 : i32
    %mul3A_0 = arith.muli %arg1, %mul3A : i32
    %add3A = arith.addi %mul3A_0, %arg0 : i32
    %lt3A = arith.constant 2 : i32
    %lt3A_1 = arith.cmpi slt, %add3A, %lt3A : i32
    %jit3A = arith.constant 1 : i32
    %jit3A_2 = arith.constant 0 : i32
    %select_n3A = arith.select %lt3A_1, %jit3A, %jit3A_2 : i32
    %add3A_3 = arith.constant 39 : i32
    %add3A_4 = arith.addi %add3A_3, %select_n3A : i32
    %while3A = arith.constant 0 : i32
    %while3A_5 = arith.constant 0 : i32
    %while3A_6 = arith.subi %add3A_4, %while3A_5 : i32
    %while3A_7 = arith.addi %while3A_5, %while3A_6 : i32
    %while3A_8 = arith.constant 1 : i32
    %while3A_9 = arith.divsi %while3A_6, %while3A_8 : i32
    %while3A_10 = arith.muli %while3A_9, %while3A_8 : i32
    %while3A_11 = arith.addi %while3A_5, %while3A_10 : i32
    %while3A_12 = arith.constant 1 : i32
    scf.for %while3A_14 = %while3A_5 to %while3A_11 step %while3A_12  : i32 {
      %mul3A_15 = arith.constant 32 : i32
      %mul3A_16 = arith.muli %mul3A_15, %while3A_14 : i32
      %add3A_17 = arith.addi %add3A, %mul3A_16 : i32
      %mul3A_18 = arith.constant 128 : i32
      %mul3A_19 = arith.muli %add3A_17, %mul3A_18 : i32
      "tpu.region"() ({
        %run_scoped3A = tpu.sem_alloc : memref<!tpu.dma_semaphore, #tpu.memory_space<semaphore_mem>>
        %dma_start3A_24 = tpu.memref_slice %arg3[%mul3A_19] : memref<160000xi32, #tpu.memory_space<hbm>> -> memref<128xi32, #tpu.memory_space<hbm>>
        %dma_start3A_25 = tpu.memref_slice %arg3[%mul3A_19] : memref<160000xi32, #tpu.memory_space<hbm>> -> memref<128xi32, #tpu.memory_space<hbm>>
        tpu.enqueue_dma source(%dma_start3A_25 : memref<128xi32, #tpu.memory_space<hbm>>) target(%arg5 : memref<128xi32, #tpu.memory_space<vmem>>) target_semaphore(%run_scoped3A : memref<!tpu.dma_semaphore, #tpu.memory_space<semaphore_mem>>)
        %dma_wait3A_26 = tpu.memref_slice %arg3[%mul3A_19] : memref<160000xi32, #tpu.memory_space<hbm>> -> memref<128xi32, #tpu.memory_space<hbm>>
        %dma_wait3A_27 = tpu.memref_slice %arg3[%mul3A_19] : memref<160000xi32, #tpu.memory_space<hbm>> -> memref<128xi32, #tpu.memory_space<hbm>>
        tpu.wait_dma2 semaphore(%run_scoped3A : memref<!tpu.dma_semaphore, #tpu.memory_space<semaphore_mem>>) src(%dma_wait3A_27 : memref<128xi32, #tpu.memory_space<hbm>>) dst(%arg5 : memref<128xi32, #tpu.memory_space<vmem>>)
        tpu.yield
      }) : () -> ()
      %dma_start3A = arith.constant 0 : i32
      %dma_start3A_20 = arith.constant 0 : i32
      %dma_start3A_21 = tpu.memref_slice %arg2[%dma_start3A, %dma_start3A_20] : memref<10000x32xf32, #tpu.memory_space<hbm>> -> memref<10000x32xf32, #tpu.memory_space<hbm>>
      tpu.enqueue_indirect_dma source(%dma_start3A_21 : memref<10000x32xf32, #tpu.memory_space<hbm>>) target(%arg6 : memref<128x32xf32, #tpu.memory_space<vmem>>) offsets(%arg5 : memref<128xi32, #tpu.memory_space<vmem>>) semaphore(%arg7 : memref<!tpu.dma_semaphore, #tpu.memory_space<semaphore_mem>>)
      %dma_wait3A = arith.constant 0 : i32
      %dma_wait3A_22 = arith.constant 0 : i32
      %dma_wait3A_23 = tpu.memref_slice %arg2[%dma_wait3A, %dma_wait3A_22] : memref<10000x32xf32, #tpu.memory_space<hbm>> -> memref<10000x32xf32, #tpu.memory_space<hbm>>
      tpu.wait_indirect_dma semaphore(%arg7 : memref<!tpu.dma_semaphore, #tpu.memory_space<semaphore_mem>>) src(%dma_wait3A_23 : memref<10000x32xf32, #tpu.memory_space<hbm>>) dst(%arg6 : memref<128x32xf32, #tpu.memory_space<vmem>>)
      "tpu.region"() ({
        %run_scoped3A = tpu.sem_alloc : memref<!tpu.dma_semaphore, #tpu.memory_space<semaphore_mem>>
        %dma_start3A_24 = arith.constant 0 : i32
        %dma_start3A_25 = tpu.memref_slice %arg4[%mul3A_19, %dma_start3A_24] : memref<160000x32xf32, #tpu.memory_space<hbm>> -> memref<128x32xf32, #tpu.memory_space<hbm>>
        %dma_start3A_26 = arith.constant 0 : i32
        %dma_start3A_27 = tpu.memref_slice %arg4[%mul3A_19, %dma_start3A_26] : memref<160000x32xf32, #tpu.memory_space<hbm>> -> memref<128x32xf32, #tpu.memory_space<hbm>>
        tpu.enqueue_dma source(%arg6 : memref<128x32xf32, #tpu.memory_space<vmem>>) target(%dma_start3A_27 : memref<128x32xf32, #tpu.memory_space<hbm>>) target_semaphore(%run_scoped3A : memref<!tpu.dma_semaphore, #tpu.memory_space<semaphore_mem>>)
        %dma_wait3A_28 = arith.constant 0 : i32
        %dma_wait3A_29 = tpu.memref_slice %arg4[%mul3A_19, %dma_wait3A_28] : memref<160000x32xf32, #tpu.memory_space<hbm>> -> memref<128x32xf32, #tpu.memory_space<hbm>>
        %dma_wait3A_30 = arith.constant 0 : i32
        %dma_wait3A_31 = tpu.memref_slice %arg4[%mul3A_19, %dma_wait3A_30] : memref<160000x32xf32, #tpu.memory_space<hbm>> -> memref<128x32xf32, #tpu.memory_space<hbm>>
        tpu.wait_dma2 semaphore(%run_scoped3A : memref<!tpu.dma_semaphore, #tpu.memory_space<semaphore_mem>>) src(%arg6 : memref<128x32xf32, #tpu.memory_space<vmem>>) dst(%dma_wait3A_31 : memref<128x32xf32, #tpu.memory_space<hbm>>)
        tpu.yield
      }) : () -> ()
    }
    %while3A_13 = arith.constant 1 : i32
    scf.for %while3A_14 = %while3A_11 to %while3A_7 step %while3A_13  : i32 {
      %mul3A_15 = arith.constant 32 : i32
      %mul3A_16 = arith.muli %mul3A_15, %while3A_14 : i32
      %add3A_17 = arith.addi %add3A, %mul3A_16 : i32
      %mul3A_18 = arith.constant 128 : i32
      %mul3A_19 = arith.muli %add3A_17, %mul3A_18 : i32
      "tpu.region"() ({
        %run_scoped3A = tpu.sem_alloc : memref<!tpu.dma_semaphore, #tpu.memory_space<semaphore_mem>>
        %dma_start3A_24 = tpu.memref_slice %arg3[%mul3A_19] : memref<160000xi32, #tpu.memory_space<hbm>> -> memref<128xi32, #tpu.memory_space<hbm>>
        %dma_start3A_25 = tpu.memref_slice %arg3[%mul3A_19] : memref<160000xi32, #tpu.memory_space<hbm>> -> memref<128xi32, #tpu.memory_space<hbm>>
        tpu.enqueue_dma source(%dma_start3A_25 : memref<128xi32, #tpu.memory_space<hbm>>) target(%arg5 : memref<128xi32, #tpu.memory_space<vmem>>) target_semaphore(%run_scoped3A : memref<!tpu.dma_semaphore, #tpu.memory_space<semaphore_mem>>)
        %dma_wait3A_26 = tpu.memref_slice %arg3[%mul3A_19] : memref<160000xi32, #tpu.memory_space<hbm>> -> memref<128xi32, #tpu.memory_space<hbm>>
        %dma_wait3A_27 = tpu.memref_slice %arg3[%mul3A_19] : memref<160000xi32, #tpu.memory_space<hbm>> -> memref<128xi32, #tpu.memory_space<hbm>>
        tpu.wait_dma2 semaphore(%run_scoped3A : memref<!tpu.dma_semaphore, #tpu.memory_space<semaphore_mem>>) src(%dma_wait3A_27 : memref<128xi32, #tpu.memory_space<hbm>>) dst(%arg5 : memref<128xi32, #tpu.memory_space<vmem>>)
        tpu.yield
      }) : () -> ()
      %dma_start3A = arith.constant 0 : i32
      %dma_start3A_20 = arith.constant 0 : i32
      %dma_start3A_21 = tpu.memref_slice %arg2[%dma_start3A, %dma_start3A_20] : memref<10000x32xf32, #tpu.memory_space<hbm>> -> memref<10000x32xf32, #tpu.memory_space<hbm>>
      tpu.enqueue_indirect_dma source(%dma_start3A_21 : memref<10000x32xf32, #tpu.memory_space<hbm>>) target(%arg6 : memref<128x32xf32, #tpu.memory_space<vmem>>) offsets(%arg5 : memref<128xi32, #tpu.memory_space<vmem>>) semaphore(%arg7 : memref<!tpu.dma_semaphore, #tpu.memory_space<semaphore_mem>>)
      %dma_wait3A = arith.constant 0 : i32
      %dma_wait3A_22 = arith.constant 0 : i32
      %dma_wait3A_23 = tpu.memref_slice %arg2[%dma_wait3A, %dma_wait3A_22] : memref<10000x32xf32, #tpu.memory_space<hbm>> -> memref<10000x32xf32, #tpu.memory_space<hbm>>
      tpu.wait_indirect_dma semaphore(%arg7 : memref<!tpu.dma_semaphore, #tpu.memory_space<semaphore_mem>>) src(%dma_wait3A_23 : memref<10000x32xf32, #tpu.memory_space<hbm>>) dst(%arg6 : memref<128x32xf32, #tpu.memory_space<vmem>>)
      "tpu.region"() ({
        %run_scoped3A = tpu.sem_alloc : memref<!tpu.dma_semaphore, #tpu.memory_space<semaphore_mem>>
        %dma_start3A_24 = arith.constant 0 : i32
        %dma_start3A_25 = tpu.memref_slice %arg4[%mul3A_19, %dma_start3A_24] : memref<160000x32xf32, #tpu.memory_space<hbm>> -> memref<128x32xf32, #tpu.memory_space<hbm>>
        %dma_start3A_26 = arith.constant 0 : i32
        %dma_start3A_27 = tpu.memref_slice %arg4[%mul3A_19, %dma_start3A_26] : memref<160000x32xf32, #tpu.memory_space<hbm>> -> memref<128x32xf32, #tpu.memory_space<hbm>>
        tpu.enqueue_dma source(%arg6 : memref<128x32xf32, #tpu.memory_space<vmem>>) target(%dma_start3A_27 : memref<128x32xf32, #tpu.memory_space<hbm>>) target_semaphore(%run_scoped3A : memref<!tpu.dma_semaphore, #tpu.memory_space<semaphore_mem>>)
        %dma_wait3A_28 = arith.constant 0 : i32
        %dma_wait3A_29 = tpu.memref_slice %arg4[%mul3A_19, %dma_wait3A_28] : memref<160000x32xf32, #tpu.memory_space<hbm>> -> memref<128x32xf32, #tpu.memory_space<hbm>>
        %dma_wait3A_30 = arith.constant 0 : i32
        %dma_wait3A_31 = tpu.memref_slice %arg4[%mul3A_19, %dma_wait3A_30] : memref<160000x32xf32, #tpu.memory_space<hbm>> -> memref<128x32xf32, #tpu.memory_space<hbm>>
        tpu.wait_dma2 semaphore(%run_scoped3A : memref<!tpu.dma_semaphore, #tpu.memory_space<semaphore_mem>>) src(%arg6 : memref<128x32xf32, #tpu.memory_space<vmem>>) dst(%dma_wait3A_31 : memref<128x32xf32, #tpu.memory_space<hbm>>)
        tpu.yield
      }) : () -> ()
    }
    return
  }
}

#map = affine_map<(d0, d1) -> (0, 0)>
#map1 = affine_map<(d0, d1) -> (0)>
#map2 = affine_map<(d0, d1) -> (0, 0, 0)>
module attributes {stable_mosaic.version = 14 : i64} {
  func.func @_scatter_body(%arg0: i32, %arg1: i32, %arg2: memref<160000x32xf32, #tpu.memory_space<hbm>>, %arg3: memref<160000xi32, #tpu.memory_space<hbm>>, %arg4: memref<10000x32xf32, #tpu.memory_space<hbm>>, %arg5: memref<10000x16xf32, #tpu.memory_space<hbm>>, %arg6: memref<2x10000x32xf32, #tpu.memory_space<hbm>>, %arg7: memref<2x10000x16xf32, #tpu.memory_space<hbm>>, %arg8: memref<128xi32, #tpu.memory_space<vmem>>, %arg9: memref<128x32xf32, #tpu.memory_space<vmem>>, %arg10: memref<128x16xf32, #tpu.memory_space<vmem>>, %arg11: memref<10000x32xf32, #tpu.memory_space<vmem_shared>>, %arg12: memref<10000x16xf32, #tpu.memory_space<vmem_shared>>) attributes {dimension_semantics = [#tpu.dimension_semantics<core_parallel>, #tpu.dimension_semantics<subcore_parallel>], iteration_bounds = array<i64: 2, 16>, scalar_prefetch = 0 : i64, scratch_operands = 5 : i64, tpu.core_type = #tpu.core_type<sc_vector_subcore>, window_params = [{transform_indices = #map}, {transform_indices = #map1}, {transform_indices = #map}, {transform_indices = #map}, {transform_indices = #map2}, {transform_indices = #map2}]} {
    %mul3A = arith.constant 2 : i32
    %mul3A_0 = arith.muli %arg1, %mul3A : i32
    %add3A = arith.addi %mul3A_0, %arg0 : i32
    %mul3A_1 = arith.constant 625 : i32
    %mul3A_2 = arith.muli %arg1, %mul3A_1 : i32
    %scan3A = arith.constant 0 : i32
    %scan3A_3 = arith.constant 0 : i32
    %scan3A_4 = arith.constant 128 : i32
    %scan3A_5 = arith.addi %scan3A_3, %scan3A_4 : i32
    %scan3A_6 = arith.constant 1 : i32
    scf.for %scan3A_22 = %scan3A_3 to %scan3A_5 step %scan3A_6  : i32 {
      %broadcast_in_dim3A = arith.constant 1.000000e+00 : f32
      %broadcast_in_dim3A_23 = vector.broadcast %broadcast_in_dim3A : f32 to vector<16xf32>
      %swap3A = arith.index_cast %scan3A_22 : i32 to index
      %swap3A_24 = arith.constant 0 : index
      %swap3A_25 = tpu.vector_load %arg10[%swap3A, %swap3A_24] {strides = array<i32>} : memref<128x16xf32, #tpu.memory_space<vmem>>, vector<1x16xf32>,
      %swap3A_26 = vector.shape_cast %swap3A_25 : vector<1x16xf32> to vector<16xf32>
      %swap3A_27 = vector.shape_cast %broadcast_in_dim3A_23 : vector<16xf32> to vector<1x16xf32>
      tpu.vector_store %arg10[%swap3A, %swap3A_24], %swap3A_27 {strides = array<i32>} : memref<128x16xf32, #tpu.memory_space<vmem>>, vector<1x16xf32>,
    }
    %scan3A_7 = arith.constant 128 : i32
    "tpu.region"() ({
      %run_scoped3A = tpu.sem_alloc : memref<!tpu.dma_semaphore, #tpu.memory_space<semaphore_mem>>
      %dma_start3A = arith.constant 0 : i32
      %dma_start3A_22 = tpu.memref_slice %arg11[%mul3A_2, %dma_start3A] : memref<10000x32xf32, #tpu.memory_space<vmem_shared>> -> memref<625x32xf32, #tpu.memory_space<vmem_shared>>
      %dma_start3A_23 = arith.constant 0 : i32
      %dma_start3A_24 = tpu.memref_slice %arg4[%mul3A_2, %dma_start3A_23] : memref<10000x32xf32, #tpu.memory_space<hbm>> -> memref<625x32xf32, #tpu.memory_space<hbm>>
      tpu.enqueue_dma source(%dma_start3A_24 : memref<625x32xf32, #tpu.memory_space<hbm>>) target(%dma_start3A_22 : memref<625x32xf32, #tpu.memory_space<vmem_shared>>) target_semaphore(%run_scoped3A : memref<!tpu.dma_semaphore, #tpu.memory_space<semaphore_mem>>)
      %dma_wait3A = arith.constant 0 : i32
      %dma_wait3A_25 = tpu.memref_slice %arg11[%mul3A_2, %dma_wait3A] : memref<10000x32xf32, #tpu.memory_space<vmem_shared>> -> memref<625x32xf32, #tpu.memory_space<vmem_shared>>
      %dma_wait3A_26 = arith.constant 0 : i32
      %dma_wait3A_27 = tpu.memref_slice %arg4[%mul3A_2, %dma_wait3A_26] : memref<10000x32xf32, #tpu.memory_space<hbm>> -> memref<625x32xf32, #tpu.memory_space<hbm>>
      tpu.wait_dma2 semaphore(%run_scoped3A : memref<!tpu.dma_semaphore, #tpu.memory_space<semaphore_mem>>) src(%dma_wait3A_27 : memref<625x32xf32, #tpu.memory_space<hbm>>) dst(%dma_wait3A_25 : memref<625x32xf32, #tpu.memory_space<vmem_shared>>)
      tpu.yield
    }) : () -> ()
    "tpu.region"() ({
      %run_scoped3A = tpu.sem_alloc : memref<!tpu.dma_semaphore, #tpu.memory_space<semaphore_mem>>
      %dma_start3A = arith.constant 0 : i32
      %dma_start3A_22 = tpu.memref_slice %arg12[%mul3A_2, %dma_start3A] : memref<10000x16xf32, #tpu.memory_space<vmem_shared>> -> memref<625x16xf32, #tpu.memory_space<vmem_shared>>
      %dma_start3A_23 = arith.constant 0 : i32
      %dma_start3A_24 = tpu.memref_slice %arg5[%mul3A_2, %dma_start3A_23] : memref<10000x16xf32, #tpu.memory_space<hbm>> -> memref<625x16xf32, #tpu.memory_space<hbm>>
      tpu.enqueue_dma source(%dma_start3A_24 : memref<625x16xf32, #tpu.memory_space<hbm>>) target(%dma_start3A_22 : memref<625x16xf32, #tpu.memory_space<vmem_shared>>) target_semaphore(%run_scoped3A : memref<!tpu.dma_semaphore, #tpu.memory_space<semaphore_mem>>)
      %dma_wait3A = arith.constant 0 : i32
      %dma_wait3A_25 = tpu.memref_slice %arg12[%mul3A_2, %dma_wait3A] : memref<10000x16xf32, #tpu.memory_space<vmem_shared>> -> memref<625x16xf32, #tpu.memory_space<vmem_shared>>
      %dma_wait3A_26 = arith.constant 0 : i32
      %dma_wait3A_27 = tpu.memref_slice %arg5[%mul3A_2, %dma_wait3A_26] : memref<10000x16xf32, #tpu.memory_space<hbm>> -> memref<625x16xf32, #tpu.memory_space<hbm>>
      tpu.wait_dma2 semaphore(%run_scoped3A : memref<!tpu.dma_semaphore, #tpu.memory_space<semaphore_mem>>) src(%dma_wait3A_27 : memref<625x16xf32, #tpu.memory_space<hbm>>) dst(%dma_wait3A_25 : memref<625x16xf32, #tpu.memory_space<vmem_shared>>)
      tpu.yield
    }) : () -> ()
    %barrier3A = arith.constant 0 : index
    tpu.barrier barrier_id(%barrier3A)
    %lt3A = arith.constant 2 : i32
    %lt3A_8 = arith.cmpi slt, %add3A, %lt3A : i32
    %jit3A = arith.constant 1 : i32
    %jit3A_9 = arith.constant 0 : i32
    %select_n3A = arith.select %lt3A_8, %jit3A, %jit3A_9 : i32
    %add3A_10 = arith.constant 39 : i32
    %add3A_11 = arith.addi %add3A_10, %select_n3A : i32
    %while3A = arith.constant 0 : i32
    %while3A_12 = arith.constant 0 : i32
    %while3A_13 = arith.subi %add3A_11, %while3A_12 : i32
    %while3A_14 = arith.addi %while3A_12, %while3A_13 : i32
    %while3A_15 = arith.constant 1 : i32
    %while3A_16 = arith.divsi %while3A_13, %while3A_15 : i32
    %while3A_17 = arith.muli %while3A_16, %while3A_15 : i32
    %while3A_18 = arith.addi %while3A_12, %while3A_17 : i32
    %while3A_19 = arith.constant 1 : i32
    scf.for %while3A_22 = %while3A_12 to %while3A_18 step %while3A_19  : i32 {
      %mul3A_23 = arith.constant 32 : i32
      %mul3A_24 = arith.muli %mul3A_23, %while3A_22 : i32
      %add3A_25 = arith.addi %add3A, %mul3A_24 : i32
      %mul3A_26 = arith.constant 128 : i32
      %mul3A_27 = arith.muli %add3A_25, %mul3A_26 : i32
      "tpu.region"() ({
        %run_scoped3A = tpu.sem_alloc : memref<!tpu.dma_semaphore, #tpu.memory_space<semaphore_mem>>
        %dma_start3A = tpu.memref_slice %arg3[%mul3A_27] : memref<160000xi32, #tpu.memory_space<hbm>> -> memref<128xi32, #tpu.memory_space<hbm>>
        %dma_start3A_28 = tpu.memref_slice %arg3[%mul3A_27] : memref<160000xi32, #tpu.memory_space<hbm>> -> memref<128xi32, #tpu.memory_space<hbm>>
        tpu.enqueue_dma source(%dma_start3A_28 : memref<128xi32, #tpu.memory_space<hbm>>) target(%arg8 : memref<128xi32, #tpu.memory_space<vmem>>) target_semaphore(%run_scoped3A : memref<!tpu.dma_semaphore, #tpu.memory_space<semaphore_mem>>)
        %dma_wait3A = tpu.memref_slice %arg3[%mul3A_27] : memref<160000xi32, #tpu.memory_space<hbm>> -> memref<128xi32, #tpu.memory_space<hbm>>
        %dma_wait3A_29 = tpu.memref_slice %arg3[%mul3A_27] : memref<160000xi32, #tpu.memory_space<hbm>> -> memref<128xi32, #tpu.memory_space<hbm>>
        tpu.wait_dma2 semaphore(%run_scoped3A : memref<!tpu.dma_semaphore, #tpu.memory_space<semaphore_mem>>) src(%dma_wait3A_29 : memref<128xi32, #tpu.memory_space<hbm>>) dst(%arg8 : memref<128xi32, #tpu.memory_space<vmem>>)
        tpu.yield
      }) : () -> ()
      "tpu.region"() ({
        %run_scoped3A = tpu.sem_alloc : memref<!tpu.dma_semaphore, #tpu.memory_space<semaphore_mem>>
        %dma_start3A = arith.constant 0 : i32
        %dma_start3A_28 = tpu.memref_slice %arg2[%mul3A_27, %dma_start3A] : memref<160000x32xf32, #tpu.memory_space<hbm>> -> memref<128x32xf32, #tpu.memory_space<hbm>>
        %dma_start3A_29 = arith.constant 0 : i32
        %dma_start3A_30 = tpu.memref_slice %arg2[%mul3A_27, %dma_start3A_29] : memref<160000x32xf32, #tpu.memory_space<hbm>> -> memref<128x32xf32, #tpu.memory_space<hbm>>
        tpu.enqueue_dma source(%dma_start3A_30 : memref<128x32xf32, #tpu.memory_space<hbm>>) target(%arg9 : memref<128x32xf32, #tpu.memory_space<vmem>>) target_semaphore(%run_scoped3A : memref<!tpu.dma_semaphore, #tpu.memory_space<semaphore_mem>>)
        %dma_wait3A = arith.constant 0 : i32
        %dma_wait3A_31 = tpu.memref_slice %arg2[%mul3A_27, %dma_wait3A] : memref<160000x32xf32, #tpu.memory_space<hbm>> -> memref<128x32xf32, #tpu.memory_space<hbm>>
        %dma_wait3A_32 = arith.constant 0 : i32
        %dma_wait3A_33 = tpu.memref_slice %arg2[%mul3A_27, %dma_wait3A_32] : memref<160000x32xf32, #tpu.memory_space<hbm>> -> memref<128x32xf32, #tpu.memory_space<hbm>>
        tpu.wait_dma2 semaphore(%run_scoped3A : memref<!tpu.dma_semaphore, #tpu.memory_space<semaphore_mem>>) src(%dma_wait3A_33 : memref<128x32xf32, #tpu.memory_space<hbm>>) dst(%arg9 : memref<128x32xf32, #tpu.memory_space<vmem>>)
        tpu.yield
      }) : () -> ()
      "tpu.region"() ({
        %run_scoped3A = tpu.sem_alloc : memref<!tpu.dma_semaphore, #tpu.memory_space<semaphore_mem>>
        %dma_start3A = arith.constant 0 : i32
        %dma_start3A_28 = arith.constant 0 : i32
        %dma_start3A_29 = tpu.memref_slice %arg11[%dma_start3A, %dma_start3A_28] : memref<10000x32xf32, #tpu.memory_space<vmem_shared>> -> memref<10000x32xf32, #tpu.memory_space<vmem_shared>>
        tpu.enqueue_indirect_dma source(%arg9 : memref<128x32xf32, #tpu.memory_space<vmem>>) target(%dma_start3A_29 : memref<10000x32xf32, #tpu.memory_space<vmem_shared>>) offsets(%arg8 : memref<128xi32, #tpu.memory_space<vmem>>) semaphore(%run_scoped3A : memref<!tpu.dma_semaphore, #tpu.memory_space<semaphore_mem>>) {add = true}
        %dma_wait3A = arith.constant 0 : i32
        %dma_wait3A_30 = arith.constant 0 : i32
        %dma_wait3A_31 = tpu.memref_slice %arg11[%dma_wait3A, %dma_wait3A_30] : memref<10000x32xf32, #tpu.memory_space<vmem_shared>> -> memref<10000x32xf32, #tpu.memory_space<vmem_shared>>
        tpu.wait_indirect_dma semaphore(%run_scoped3A : memref<!tpu.dma_semaphore, #tpu.memory_space<semaphore_mem>>) src(%arg9 : memref<128x32xf32, #tpu.memory_space<vmem>>) dst(%dma_wait3A_31 : memref<10000x32xf32, #tpu.memory_space<vmem_shared>>)
        tpu.yield
      }) : () -> ()
      "tpu.region"() ({
        %run_scoped3A = tpu.sem_alloc : memref<!tpu.dma_semaphore, #tpu.memory_space<semaphore_mem>>
        %dma_start3A = arith.constant 0 : i32
        %dma_start3A_28 = arith.constant 0 : i32
        %dma_start3A_29 = tpu.memref_slice %arg12[%dma_start3A, %dma_start3A_28] : memref<10000x16xf32, #tpu.memory_space<vmem_shared>> -> memref<10000x16xf32, #tpu.memory_space<vmem_shared>>
        tpu.enqueue_indirect_dma source(%arg10 : memref<128x16xf32, #tpu.memory_space<vmem>>) target(%dma_start3A_29 : memref<10000x16xf32, #tpu.memory_space<vmem_shared>>) offsets(%arg8 : memref<128xi32, #tpu.memory_space<vmem>>) semaphore(%run_scoped3A : memref<!tpu.dma_semaphore, #tpu.memory_space<semaphore_mem>>) {add = true}
        %dma_wait3A = arith.constant 0 : i32
        %dma_wait3A_30 = arith.constant 0 : i32
        %dma_wait3A_31 = tpu.memref_slice %arg12[%dma_wait3A, %dma_wait3A_30] : memref<10000x16xf32, #tpu.memory_space<vmem_shared>> -> memref<10000x16xf32, #tpu.memory_space<vmem_shared>>
        tpu.wait_indirect_dma semaphore(%run_scoped3A : memref<!tpu.dma_semaphore, #tpu.memory_space<semaphore_mem>>) src(%arg10 : memref<128x16xf32, #tpu.memory_space<vmem>>) dst(%dma_wait3A_31 : memref<10000x16xf32, #tpu.memory_space<vmem_shared>>)
        tpu.yield
      }) : () -> ()
    }
    %while3A_20 = arith.constant 1 : i32
    scf.for %while3A_22 = %while3A_18 to %while3A_14 step %while3A_20  : i32 {
      %mul3A_23 = arith.constant 32 : i32
      %mul3A_24 = arith.muli %mul3A_23, %while3A_22 : i32
      %add3A_25 = arith.addi %add3A, %mul3A_24 : i32
      %mul3A_26 = arith.constant 128 : i32
      %mul3A_27 = arith.muli %add3A_25, %mul3A_26 : i32
      "tpu.region"() ({
        %run_scoped3A = tpu.sem_alloc : memref<!tpu.dma_semaphore, #tpu.memory_space<semaphore_mem>>
        %dma_start3A = tpu.memref_slice %arg3[%mul3A_27] : memref<160000xi32, #tpu.memory_space<hbm>> -> memref<128xi32, #tpu.memory_space<hbm>>
        %dma_start3A_28 = tpu.memref_slice %arg3[%mul3A_27] : memref<160000xi32, #tpu.memory_space<hbm>> -> memref<128xi32, #tpu.memory_space<hbm>>
        tpu.enqueue_dma source(%dma_start3A_28 : memref<128xi32, #tpu.memory_space<hbm>>) target(%arg8 : memref<128xi32, #tpu.memory_space<vmem>>) target_semaphore(%run_scoped3A : memref<!tpu.dma_semaphore, #tpu.memory_space<semaphore_mem>>)
        %dma_wait3A = tpu.memref_slice %arg3[%mul3A_27] : memref<160000xi32, #tpu.memory_space<hbm>> -> memref<128xi32, #tpu.memory_space<hbm>>
        %dma_wait3A_29 = tpu.memref_slice %arg3[%mul3A_27] : memref<160000xi32, #tpu.memory_space<hbm>> -> memref<128xi32, #tpu.memory_space<hbm>>
        tpu.wait_dma2 semaphore(%run_scoped3A : memref<!tpu.dma_semaphore, #tpu.memory_space<semaphore_mem>>) src(%dma_wait3A_29 : memref<128xi32, #tpu.memory_space<hbm>>) dst(%arg8 : memref<128xi32, #tpu.memory_space<vmem>>)
        tpu.yield
      }) : () -> ()
      "tpu.region"() ({
        %run_scoped3A = tpu.sem_alloc : memref<!tpu.dma_semaphore, #tpu.memory_space<semaphore_mem>>
        %dma_start3A = arith.constant 0 : i32
        %dma_start3A_28 = tpu.memref_slice %arg2[%mul3A_27, %dma_start3A] : memref<160000x32xf32, #tpu.memory_space<hbm>> -> memref<128x32xf32, #tpu.memory_space<hbm>>
        %dma_start3A_29 = arith.constant 0 : i32
        %dma_start3A_30 = tpu.memref_slice %arg2[%mul3A_27, %dma_start3A_29] : memref<160000x32xf32, #tpu.memory_space<hbm>> -> memref<128x32xf32, #tpu.memory_space<hbm>>
        tpu.enqueue_dma source(%dma_start3A_30 : memref<128x32xf32, #tpu.memory_space<hbm>>) target(%arg9 : memref<128x32xf32, #tpu.memory_space<vmem>>) target_semaphore(%run_scoped3A : memref<!tpu.dma_semaphore, #tpu.memory_space<semaphore_mem>>)
        %dma_wait3A = arith.constant 0 : i32
        %dma_wait3A_31 = tpu.memref_slice %arg2[%mul3A_27, %dma_wait3A] : memref<160000x32xf32, #tpu.memory_space<hbm>> -> memref<128x32xf32, #tpu.memory_space<hbm>>
        %dma_wait3A_32 = arith.constant 0 : i32
        %dma_wait3A_33 = tpu.memref_slice %arg2[%mul3A_27, %dma_wait3A_32] : memref<160000x32xf32, #tpu.memory_space<hbm>> -> memref<128x32xf32, #tpu.memory_space<hbm>>
        tpu.wait_dma2 semaphore(%run_scoped3A : memref<!tpu.dma_semaphore, #tpu.memory_space<semaphore_mem>>) src(%dma_wait3A_33 : memref<128x32xf32, #tpu.memory_space<hbm>>) dst(%arg9 : memref<128x32xf32, #tpu.memory_space<vmem>>)
        tpu.yield
      }) : () -> ()
      "tpu.region"() ({
        %run_scoped3A = tpu.sem_alloc : memref<!tpu.dma_semaphore, #tpu.memory_space<semaphore_mem>>
        %dma_start3A = arith.constant 0 : i32
        %dma_start3A_28 = arith.constant 0 : i32
        %dma_start3A_29 = tpu.memref_slice %arg11[%dma_start3A, %dma_start3A_28] : memref<10000x32xf32, #tpu.memory_space<vmem_shared>> -> memref<10000x32xf32, #tpu.memory_space<vmem_shared>>
        tpu.enqueue_indirect_dma source(%arg9 : memref<128x32xf32, #tpu.memory_space<vmem>>) target(%dma_start3A_29 : memref<10000x32xf32, #tpu.memory_space<vmem_shared>>) offsets(%arg8 : memref<128xi32, #tpu.memory_space<vmem>>) semaphore(%run_scoped3A : memref<!tpu.dma_semaphore, #tpu.memory_space<semaphore_mem>>) {add = true}
        %dma_wait3A = arith.constant 0 : i32
        %dma_wait3A_30 = arith.constant 0 : i32
        %dma_wait3A_31 = tpu.memref_slice %arg11[%dma_wait3A, %dma_wait3A_30] : memref<10000x32xf32, #tpu.memory_space<vmem_shared>> -> memref<10000x32xf32, #tpu.memory_space<vmem_shared>>
        tpu.wait_indirect_dma semaphore(%run_scoped3A : memref<!tpu.dma_semaphore, #tpu.memory_space<semaphore_mem>>) src(%arg9 : memref<128x32xf32, #tpu.memory_space<vmem>>) dst(%dma_wait3A_31 : memref<10000x32xf32, #tpu.memory_space<vmem_shared>>)
        tpu.yield
      }) : () -> ()
      "tpu.region"() ({
        %run_scoped3A = tpu.sem_alloc : memref<!tpu.dma_semaphore, #tpu.memory_space<semaphore_mem>>
        %dma_start3A = arith.constant 0 : i32
        %dma_start3A_28 = arith.constant 0 : i32
        %dma_start3A_29 = tpu.memref_slice %arg12[%dma_start3A, %dma_start3A_28] : memref<10000x16xf32, #tpu.memory_space<vmem_shared>> -> memref<10000x16xf32, #tpu.memory_space<vmem_shared>>
        tpu.enqueue_indirect_dma source(%arg10 : memref<128x16xf32, #tpu.memory_space<vmem>>) target(%dma_start3A_29 : memref<10000x16xf32, #tpu.memory_space<vmem_shared>>) offsets(%arg8 : memref<128xi32, #tpu.memory_space<vmem>>) semaphore(%run_scoped3A : memref<!tpu.dma_semaphore, #tpu.memory_space<semaphore_mem>>) {add = true}
        %dma_wait3A = arith.constant 0 : i32
        %dma_wait3A_30 = arith.constant 0 : i32
        %dma_wait3A_31 = tpu.memref_slice %arg12[%dma_wait3A, %dma_wait3A_30] : memref<10000x16xf32, #tpu.memory_space<vmem_shared>> -> memref<10000x16xf32, #tpu.memory_space<vmem_shared>>
        tpu.wait_indirect_dma semaphore(%run_scoped3A : memref<!tpu.dma_semaphore, #tpu.memory_space<semaphore_mem>>) src(%arg10 : memref<128x16xf32, #tpu.memory_space<vmem>>) dst(%dma_wait3A_31 : memref<10000x16xf32, #tpu.memory_space<vmem_shared>>)
        tpu.yield
      }) : () -> ()
    }
    %barrier3A_21 = arith.constant 0 : index
    tpu.barrier barrier_id(%barrier3A_21)
    "tpu.region"() ({
      %run_scoped3A = tpu.sem_alloc : memref<!tpu.dma_semaphore, #tpu.memory_space<semaphore_mem>>
      %dma_start3A = arith.constant 0 : i32
      %dma_start3A_22 = tpu.memref_slice %arg6[%arg0, %mul3A_2, %dma_start3A] : memref<2x10000x32xf32, #tpu.memory_space<hbm>> -> memref<1x625x32xf32, #tpu.memory_space<hbm>>
      %dma_start3A_23 = tpu.memref_squeeze %dma_start3A_22 : memref<1x625x32xf32, #tpu.memory_space<hbm>> -> memref<625x32xf32, #tpu.memory_space<hbm>>
      %dma_start3A_24 = arith.constant 0 : i32
      %dma_start3A_25 = tpu.memref_slice %arg11[%mul3A_2, %dma_start3A_24] : memref<10000x32xf32, #tpu.memory_space<vmem_shared>> -> memref<625x32xf32, #tpu.memory_space<vmem_shared>>
      tpu.enqueue_dma source(%dma_start3A_25 : memref<625x32xf32, #tpu.memory_space<vmem_shared>>) target(%dma_start3A_23 : memref<625x32xf32, #tpu.memory_space<hbm>>) target_semaphore(%run_scoped3A : memref<!tpu.dma_semaphore, #tpu.memory_space<semaphore_mem>>)
      %dma_wait3A = arith.constant 0 : i32
      %dma_wait3A_26 = tpu.memref_slice %arg6[%arg0, %mul3A_2, %dma_wait3A] : memref<2x10000x32xf32, #tpu.memory_space<hbm>> -> memref<1x625x32xf32, #tpu.memory_space<hbm>>
      %dma_wait3A_27 = tpu.memref_squeeze %dma_wait3A_26 : memref<1x625x32xf32, #tpu.memory_space<hbm>> -> memref<625x32xf32, #tpu.memory_space<hbm>>
      %dma_wait3A_28 = arith.constant 0 : i32
      %dma_wait3A_29 = tpu.memref_slice %arg11[%mul3A_2, %dma_wait3A_28] : memref<10000x32xf32, #tpu.memory_space<vmem_shared>> -> memref<625x32xf32, #tpu.memory_space<vmem_shared>>
      tpu.wait_dma2 semaphore(%run_scoped3A : memref<!tpu.dma_semaphore, #tpu.memory_space<semaphore_mem>>) src(%dma_wait3A_29 : memref<625x32xf32, #tpu.memory_space<vmem_shared>>) dst(%dma_wait3A_27 : memref<625x32xf32, #tpu.memory_space<hbm>>)
      tpu.yield
    }) : () -> ()
    "tpu.region"() ({
      %run_scoped3A = tpu.sem_alloc : memref<!tpu.dma_semaphore, #tpu.memory_space<semaphore_mem>>
      %dma_start3A = arith.constant 0 : i32
      %dma_start3A_22 = tpu.memref_slice %arg7[%arg0, %mul3A_2, %dma_start3A] : memref<2x10000x16xf32, #tpu.memory_space<hbm>> -> memref<1x625x16xf32, #tpu.memory_space<hbm>>
      %dma_start3A_23 = tpu.memref_squeeze %dma_start3A_22 : memref<1x625x16xf32, #tpu.memory_space<hbm>> -> memref<625x16xf32, #tpu.memory_space<hbm>>
      %dma_start3A_24 = arith.constant 0 : i32
      %dma_start3A_25 = tpu.memref_slice %arg12[%mul3A_2, %dma_start3A_24] : memref<10000x16xf32, #tpu.memory_space<vmem_shared>> -> memref<625x16xf32, #tpu.memory_space<vmem_shared>>
      tpu.enqueue_dma source(%dma_start3A_25 : memref<625x16xf32, #tpu.memory_space<vmem_shared>>) target(%dma_start3A_23 : memref<625x16xf32, #tpu.memory_space<hbm>>) target_semaphore(%run_scoped3A : memref<!tpu.dma_semaphore, #tpu.memory_space<semaphore_mem>>)
      %dma_wait3A = arith.constant 0 : i32
      %dma_wait3A_26 = tpu.memref_slice %arg7[%arg0, %mul3A_2, %dma_wait3A] : memref<2x10000x16xf32, #tpu.memory_space<hbm>> -> memref<1x625x16xf32, #tpu.memory_space<hbm>>
      %dma_wait3A_27 = tpu.memref_squeeze %dma_wait3A_26 : memref<1x625x16xf32, #tpu.memory_space<hbm>> -> memref<625x16xf32, #tpu.memory_space<hbm>>
      %dma_wait3A_28 = arith.constant 0 : i32
      %dma_wait3A_29 = tpu.memref_slice %arg12[%mul3A_2, %dma_wait3A_28] : memref<10000x16xf32, #tpu.memory_space<vmem_shared>> -> memref<625x16xf32, #tpu.memory_space<vmem_shared>>
      tpu.wait_dma2 semaphore(%run_scoped3A : memref<!tpu.dma_semaphore, #tpu.memory_space<semaphore_mem>>) src(%dma_wait3A_29 : memref<625x16xf32, #tpu.memory_space<vmem_shared>>) dst(%dma_wait3A_27 : memref<625x16xf32, #tpu.memory_space<hbm>>)
      tpu.yield
    }) : () -> ()
    return
  }
}

module attributes {stable_mosaic.version = 14 : i64} {
  func.func @_node_gates_body(%arg0: memref<10000x128xf32, #tpu.memory_space<vmem>>, %arg1: memref<10000x32xf32, #tpu.memory_space<vmem>>, %arg2: memref<128x32xf32, #tpu.memory_space<vmem>>, %arg3: memref<1x32xf32, #tpu.memory_space<vmem>>, %arg4: memref<128x32xf32, #tpu.memory_space<vmem>>, %arg5: memref<1x32xf32, #tpu.memory_space<vmem>>, %arg6: memref<10000x32xf32, #tpu.memory_space<vmem>>, %arg7: memref<10000x32xf32, #tpu.memory_space<vmem>>) attributes {dimension_semantics = [], scalar_prefetch = 0 : i64, scratch_operands = 0 : i64, tpu.core_type = #tpu.core_type<tc>} {
    %get3A = arith.constant 0 : index
    %get3A_0 = arith.constant 0 : index
    %get3A_1 = vector.load %arg0[%get3A, %get3A_0] : memref<10000x128xf32, #tpu.memory_space<vmem>>, vector<10000x128xf32>
    %logistic3A = arith.negf %get3A_1 : vector<10000x128xf32>
    %logistic3A_2 = math.exp %logistic3A : vector<10000x128xf32>
    %logistic3A_3 = arith.constant 1.000000e+00 : f32
    %logistic3A_4 = vector.broadcast %logistic3A_3 : f32 to vector<10000x128xf32>
    %logistic3A_5 = arith.addf %logistic3A_4, %logistic3A_2 : vector<10000x128xf32>
    %logistic3A_6 = arith.divf %logistic3A_4, %logistic3A_5 : vector<10000x128xf32>
    %mul3A = arith.mulf %get3A_1, %logistic3A_6 : vector<10000x128xf32>
    %get3A_7 = arith.constant 0 : index
    %get3A_8 = arith.constant 0 : index
    %get3A_9 = vector.load %arg2[%get3A_7, %get3A_8] : memref<128x32xf32, #tpu.memory_space<vmem>>, vector<128x32xf32>
    %dot_general3A = arith.constant dense<0.000000e+00> : vector<10000x32xf32>
    %dot_general3A_10 = tpu.matmul %mul3A, %get3A_9, %dot_general3A {dimension_numbers = #tpu.dot_dimension_numbers<[1], [0], [0], [1], [0, 0, 1, 1], [], []>, transpose_lhs_hint = false} : vector<10000x128xf32>, vector<128x32xf32>, vector<10000x32xf32> -> vector<10000x32xf32>
    %get3A_11 = arith.constant 0 : index
    %get3A_12 = arith.constant 0 : index
    %get3A_13 = vector.load %arg3[%get3A_11, %get3A_12] : memref<1x32xf32, #tpu.memory_space<vmem>>, vector<1x32xf32>
    %add3A = vector.broadcast %get3A_13 : vector<1x32xf32> to vector<10000x32xf32>
    %add3A_14 = arith.addf %dot_general3A_10, %add3A : vector<10000x32xf32>
    %get3A_15 = arith.constant 0 : index
    %get3A_16 = arith.constant 0 : index
    %get3A_17 = vector.load %arg4[%get3A_15, %get3A_16] : memref<128x32xf32, #tpu.memory_space<vmem>>, vector<128x32xf32>
    %dot_general3A_18 = arith.constant dense<0.000000e+00> : vector<10000x32xf32>
    %dot_general3A_19 = tpu.matmul %mul3A, %get3A_17, %dot_general3A_18 {dimension_numbers = #tpu.dot_dimension_numbers<[1], [0], [0], [1], [0, 0, 1, 1], [], []>, transpose_lhs_hint = false} : vector<10000x128xf32>, vector<128x32xf32>, vector<10000x32xf32> -> vector<10000x32xf32>
    %get3A_20 = arith.constant 0 : index
    %get3A_21 = arith.constant 0 : index
    %get3A_22 = vector.load %arg5[%get3A_20, %get3A_21] : memref<1x32xf32, #tpu.memory_space<vmem>>, vector<1x32xf32>
    %add3A_23 = vector.broadcast %get3A_22 : vector<1x32xf32> to vector<10000x32xf32>
    %add3A_24 = arith.addf %dot_general3A_19, %add3A_23 : vector<10000x32xf32>
    %get3A_25 = arith.constant 0 : index
    %get3A_26 = arith.constant 0 : index
    %get3A_27 = vector.load %arg1[%get3A_25, %get3A_26] : memref<10000x32xf32, #tpu.memory_space<vmem>>, vector<10000x32xf32>
    %mul3A_28 = arith.mulf %get3A_27, %add3A_14 : vector<10000x32xf32>
    %swap3A = arith.constant 0 : index
    %swap3A_29 = arith.constant 0 : index
    %swap3A_30 = vector.load %arg6[%swap3A, %swap3A_29] : memref<10000x32xf32, #tpu.memory_space<vmem>>, vector<10000x32xf32>
    tpu.vector_store %arg6[%swap3A, %swap3A_29], %mul3A_28 {strides = array<i32>} : memref<10000x32xf32, #tpu.memory_space<vmem>>, vector<10000x32xf32>,
    %swap3A_31 = arith.constant 0 : index
    %swap3A_32 = arith.constant 0 : index
    %swap3A_33 = vector.load %arg7[%swap3A_31, %swap3A_32] : memref<10000x32xf32, #tpu.memory_space<vmem>>, vector<10000x32xf32>
    tpu.vector_store %arg7[%swap3A_31, %swap3A_32], %add3A_24 {strides = array<i32>} : memref<10000x32xf32, #tpu.memory_space<vmem>>, vector<10000x32xf32>,
    return
  }
}

module attributes {stable_mosaic.version = 14 : i64} {
  func.func @_edge_body(%arg0: i32, %arg1: memref<800x128xf32, #tpu.memory_space<vmem>>, %arg2: memref<800x1024xf32, #tpu.memory_space<vmem>>, %arg3: memref<800x256xf32, #tpu.memory_space<vmem>>, %arg4: memref<800x256xf32, #tpu.memory_space<vmem>>, %arg5: memref<1024x256xf32, #tpu.memory_space<vmem>>, %arg6: memref<1x256xf32, #tpu.memory_space<vmem>>, %arg7: memref<128x128xf32, #tpu.memory_space<vmem>>, %arg8: memref<1x128xf32, #tpu.memory_space<vmem>>, %arg9: memref<128x128xf32, #tpu.memory_space<vmem>>, %arg10: memref<1x128xf32, #tpu.memory_space<vmem>>, %arg11: memref<256x4096xf32, #tpu.memory_space<vmem>>, %arg12: memref<128x4096xf32, #tpu.memory_space<vmem>>, %arg13: memref<256x256xf32, #tpu.memory_space<vmem>>, %arg14: memref<800x256xf32, #tpu.memory_space<vmem>>) attributes {dimension_semantics = [#tpu.dimension_semantics<arbitrary>], iteration_bounds = array<i64: 25>, scalar_prefetch = 0 : i64, scratch_operands = 0 : i64, tpu.core_type = #tpu.core_type<tc>, window_params = [{transform_indices = @transform_0, window_bounds = array<i64: 800, 128>}, {transform_indices = @transform_1, window_bounds = array<i64: 800, 1024>}, {transform_indices = @transform_2, window_bounds = array<i64: 800, 256>}, {transform_indices = @transform_3, window_bounds = array<i64: 800, 256>}, {pipeline_mode = #tpu.pipeline_mode<synchronous>, transform_indices = @transform_4, window_bounds = array<i64: 1024, 256>}, {pipeline_mode = #tpu.pipeline_mode<synchronous>, transform_indices = @transform_5, window_bounds = array<i64: 1, 256>}, {pipeline_mode = #tpu.pipeline_mode<synchronous>, transform_indices = @transform_6, window_bounds = array<i64: 128, 128>}, {pipeline_mode = #tpu.pipeline_mode<synchronous>, transform_indices = @transform_7, window_bounds = array<i64: 1, 128>}, {pipeline_mode = #tpu.pipeline_mode<synchronous>, transform_indices = @transform_8, window_bounds = array<i64: 128, 128>}, {pipeline_mode = #tpu.pipeline_mode<synchronous>, transform_indices = @transform_9, window_bounds = array<i64: 1, 128>}, {pipeline_mode = #tpu.pipeline_mode<synchronous>, transform_indices = @transform_10, window_bounds = array<i64: 256, 4096>}, {pipeline_mode = #tpu.pipeline_mode<synchronous>, transform_indices = @transform_11, window_bounds = array<i64: 128, 4096>}, {pipeline_mode = #tpu.pipeline_mode<synchronous>, transform_indices = @transform_12, window_bounds = array<i64: 256, 256>}, {transform_indices = @transform_13, window_bounds = array<i64: 800, 256>}]} {
    %get3A = arith.constant 0 : index
    %get3A_0 = arith.constant 0 : index
    %get3A_1 = vector.load %arg2[%get3A, %get3A_0] : memref<800x1024xf32, #tpu.memory_space<vmem>>, vector<800x1024xf32>
    %logistic3A = arith.negf %get3A_1 : vector<800x1024xf32>
    %logistic3A_2 = math.exp %logistic3A : vector<800x1024xf32>
    %logistic3A_3 = arith.constant 1.000000e+00 : f32
    %logistic3A_4 = vector.broadcast %logistic3A_3 : f32 to vector<800x1024xf32>
    %logistic3A_5 = arith.addf %logistic3A_4, %logistic3A_2 : vector<800x1024xf32>
    %logistic3A_6 = arith.divf %logistic3A_4, %logistic3A_5 : vector<800x1024xf32>
    %mul3A = arith.mulf %get3A_1, %logistic3A_6 : vector<800x1024xf32>
    %get3A_7 = arith.constant 0 : index
    %get3A_8 = arith.constant 0 : index
    %get3A_9 = vector.load %arg5[%get3A_7, %get3A_8] : memref<1024x256xf32, #tpu.memory_space<vmem>>, vector<1024x256xf32>
    %dot_general3A = arith.constant dense<0.000000e+00> : vector<800x256xf32>
    %dot_general3A_10 = tpu.matmul %mul3A, %get3A_9, %dot_general3A {dimension_numbers = #tpu.dot_dimension_numbers<[1], [0], [0], [1], [0, 0, 1, 1], [], []>, transpose_lhs_hint = false} : vector<800x1024xf32>, vector<1024x256xf32>, vector<800x256xf32> -> vector<800x256xf32>
    %get3A_11 = arith.constant 0 : index
    %get3A_12 = arith.constant 0 : index
    %get3A_13 = vector.load %arg6[%get3A_11, %get3A_12] : memref<1x256xf32, #tpu.memory_space<vmem>>, vector<1x256xf32>
    %add3A = vector.broadcast %get3A_13 : vector<1x256xf32> to vector<800x256xf32>
    %add3A_14 = arith.addf %dot_general3A_10, %add3A : vector<800x256xf32>
    %get3A_15 = arith.constant 0 : index
    %get3A_16 = arith.constant 0 : index
    %get3A_17 = vector.load %arg1[%get3A_15, %get3A_16] : memref<800x128xf32, #tpu.memory_space<vmem>>, vector<800x128xf32>
    %get3A_18 = arith.constant 0 : index
    %get3A_19 = arith.constant 0 : index
    %get3A_20 = vector.load %arg7[%get3A_18, %get3A_19] : memref<128x128xf32, #tpu.memory_space<vmem>>, vector<128x128xf32>
    %dot_general3A_21 = arith.constant dense<0.000000e+00> : vector<800x128xf32>
    %dot_general3A_22 = tpu.matmul %get3A_17, %get3A_20, %dot_general3A_21 {dimension_numbers = #tpu.dot_dimension_numbers<[1], [0], [0], [1], [0, 0, 1, 1], [], []>, transpose_lhs_hint = false} : vector<800x128xf32>, vector<128x128xf32>, vector<800x128xf32> -> vector<800x128xf32>
    %get3A_23 = arith.constant 0 : index
    %get3A_24 = arith.constant 0 : index
    %get3A_25 = vector.load %arg8[%get3A_23, %get3A_24] : memref<1x128xf32, #tpu.memory_space<vmem>>, vector<1x128xf32>
    %add3A_26 = vector.broadcast %get3A_25 : vector<1x128xf32> to vector<800x128xf32>
    %add3A_27 = arith.addf %dot_general3A_22, %add3A_26 : vector<800x128xf32>
    %slice3A = vector.extract_strided_slice %add3A_14 {offsets = [0, 0], sizes = [800, 16], strides = [1, 1]} : vector<800x256xf32> to vector<800x16xf32>
    %slice3A_28 = vector.extract_strided_slice %add3A_14 {offsets = [0, 16], sizes = [800, 16], strides = [1, 1]} : vector<800x256xf32> to vector<800x16xf32>
    %slice3A_29 = vector.extract_strided_slice %add3A_27 {offsets = [0, 0], sizes = [800, 16], strides = [1, 1]} : vector<800x128xf32> to vector<800x16xf32>
    %add3A_30 = arith.constant 1.000000e+00 : f32
    %add3A_31 = vector.broadcast %add3A_30 : f32 to vector<800x16xf32>
    %add3A_32 = arith.addf %add3A_31, %slice3A_28 : vector<800x16xf32>
    %mul3A_33 = arith.mulf %slice3A_29, %add3A_32 : vector<800x16xf32>
    %add3A_34 = arith.addf %mul3A_33, %slice3A : vector<800x16xf32>
    %slice3A_35 = vector.extract_strided_slice %add3A_14 {offsets = [0, 32], sizes = [800, 16], strides = [1, 1]} : vector<800x256xf32> to vector<800x16xf32>
    %slice3A_36 = vector.extract_strided_slice %add3A_14 {offsets = [0, 48], sizes = [800, 16], strides = [1, 1]} : vector<800x256xf32> to vector<800x16xf32>
    %slice3A_37 = vector.extract_strided_slice %add3A_27 {offsets = [0, 16], sizes = [800, 16], strides = [1, 1]} : vector<800x128xf32> to vector<800x16xf32>
    %add3A_38 = arith.constant 1.000000e+00 : f32
    %add3A_39 = vector.broadcast %add3A_38 : f32 to vector<800x16xf32>
    %add3A_40 = arith.addf %add3A_39, %slice3A_36 : vector<800x16xf32>
    %mul3A_41 = arith.mulf %slice3A_37, %add3A_40 : vector<800x16xf32>
    %add3A_42 = arith.addf %mul3A_41, %slice3A_35 : vector<800x16xf32>
    %slice3A_43 = vector.extract_strided_slice %add3A_14 {offsets = [0, 64], sizes = [800, 16], strides = [1, 1]} : vector<800x256xf32> to vector<800x16xf32>
    %slice3A_44 = vector.extract_strided_slice %add3A_14 {offsets = [0, 80], sizes = [800, 16], strides = [1, 1]} : vector<800x256xf32> to vector<800x16xf32>
    %slice3A_45 = vector.extract_strided_slice %add3A_27 {offsets = [0, 32], sizes = [800, 16], strides = [1, 1]} : vector<800x128xf32> to vector<800x16xf32>
    %add3A_46 = arith.constant 1.000000e+00 : f32
    %add3A_47 = vector.broadcast %add3A_46 : f32 to vector<800x16xf32>
    %add3A_48 = arith.addf %add3A_47, %slice3A_44 : vector<800x16xf32>
    %mul3A_49 = arith.mulf %slice3A_45, %add3A_48 : vector<800x16xf32>
    %add3A_50 = arith.addf %mul3A_49, %slice3A_43 : vector<800x16xf32>
    %slice3A_51 = vector.extract_strided_slice %add3A_14 {offsets = [0, 96], sizes = [800, 16], strides = [1, 1]} : vector<800x256xf32> to vector<800x16xf32>
    %slice3A_52 = vector.extract_strided_slice %add3A_14 {offsets = [0, 112], sizes = [800, 16], strides = [1, 1]} : vector<800x256xf32> to vector<800x16xf32>
    %slice3A_53 = vector.extract_strided_slice %add3A_27 {offsets = [0, 48], sizes = [800, 16], strides = [1, 1]} : vector<800x128xf32> to vector<800x16xf32>
    %add3A_54 = arith.constant 1.000000e+00 : f32
    %add3A_55 = vector.broadcast %add3A_54 : f32 to vector<800x16xf32>
    %add3A_56 = arith.addf %add3A_55, %slice3A_52 : vector<800x16xf32>
    %mul3A_57 = arith.mulf %slice3A_53, %add3A_56 : vector<800x16xf32>
    %add3A_58 = arith.addf %mul3A_57, %slice3A_51 : vector<800x16xf32>
    %slice3A_59 = vector.extract_strided_slice %add3A_14 {offsets = [0, 128], sizes = [800, 16], strides = [1, 1]} : vector<800x256xf32> to vector<800x16xf32>
    %slice3A_60 = vector.extract_strided_slice %add3A_14 {offsets = [0, 144], sizes = [800, 16], strides = [1, 1]} : vector<800x256xf32> to vector<800x16xf32>
    %slice3A_61 = vector.extract_strided_slice %add3A_27 {offsets = [0, 64], sizes = [800, 16], strides = [1, 1]} : vector<800x128xf32> to vector<800x16xf32>
    %add3A_62 = arith.constant 1.000000e+00 : f32
    %add3A_63 = vector.broadcast %add3A_62 : f32 to vector<800x16xf32>
    %add3A_64 = arith.addf %add3A_63, %slice3A_60 : vector<800x16xf32>
    %mul3A_65 = arith.mulf %slice3A_61, %add3A_64 : vector<800x16xf32>
    %add3A_66 = arith.addf %mul3A_65, %slice3A_59 : vector<800x16xf32>
    %slice3A_67 = vector.extract_strided_slice %add3A_14 {offsets = [0, 160], sizes = [800, 16], strides = [1, 1]} : vector<800x256xf32> to vector<800x16xf32>
    %slice3A_68 = vector.extract_strided_slice %add3A_14 {offsets = [0, 176], sizes = [800, 16], strides = [1, 1]} : vector<800x256xf32> to vector<800x16xf32>
    %slice3A_69 = vector.extract_strided_slice %add3A_27 {offsets = [0, 80], sizes = [800, 16], strides = [1, 1]} : vector<800x128xf32> to vector<800x16xf32>
    %add3A_70 = arith.constant 1.000000e+00 : f32
    %add3A_71 = vector.broadcast %add3A_70 : f32 to vector<800x16xf32>
    %add3A_72 = arith.addf %add3A_71, %slice3A_68 : vector<800x16xf32>
    %mul3A_73 = arith.mulf %slice3A_69, %add3A_72 : vector<800x16xf32>
    %add3A_74 = arith.addf %mul3A_73, %slice3A_67 : vector<800x16xf32>
    %slice3A_75 = vector.extract_strided_slice %add3A_14 {offsets = [0, 192], sizes = [800, 16], strides = [1, 1]} : vector<800x256xf32> to vector<800x16xf32>
    %slice3A_76 = vector.extract_strided_slice %add3A_14 {offsets = [0, 208], sizes = [800, 16], strides = [1, 1]} : vector<800x256xf32> to vector<800x16xf32>
    %slice3A_77 = vector.extract_strided_slice %add3A_27 {offsets = [0, 96], sizes = [800, 16], strides = [1, 1]} : vector<800x128xf32> to vector<800x16xf32>
    %add3A_78 = arith.constant 1.000000e+00 : f32
    %add3A_79 = vector.broadcast %add3A_78 : f32 to vector<800x16xf32>
    %add3A_80 = arith.addf %add3A_79, %slice3A_76 : vector<800x16xf32>
    %mul3A_81 = arith.mulf %slice3A_77, %add3A_80 : vector<800x16xf32>
    %add3A_82 = arith.addf %mul3A_81, %slice3A_75 : vector<800x16xf32>
    %slice3A_83 = vector.extract_strided_slice %add3A_14 {offsets = [0, 224], sizes = [800, 16], strides = [1, 1]} : vector<800x256xf32> to vector<800x16xf32>
    %slice3A_84 = vector.extract_strided_slice %add3A_14 {offsets = [0, 240], sizes = [800, 16], strides = [1, 1]} : vector<800x256xf32> to vector<800x16xf32>
    %slice3A_85 = vector.extract_strided_slice %add3A_27 {offsets = [0, 112], sizes = [800, 16], strides = [1, 1]} : vector<800x128xf32> to vector<800x16xf32>
    %add3A_86 = arith.constant 1.000000e+00 : f32
    %add3A_87 = vector.broadcast %add3A_86 : f32 to vector<800x16xf32>
    %add3A_88 = arith.addf %add3A_87, %slice3A_84 : vector<800x16xf32>
    %mul3A_89 = arith.mulf %slice3A_85, %add3A_88 : vector<800x16xf32>
    %add3A_90 = arith.addf %mul3A_89, %slice3A_83 : vector<800x16xf32>
    %concatenate3A = tpu.concatenate %add3A_34, %add3A_42, %add3A_50, %add3A_58, %add3A_66, %add3A_74, %add3A_82, %add3A_90 in 1 : vector<800x16xf32>, vector<800x16xf32>, vector<800x16xf32>, vector<800x16xf32>, vector<800x16xf32>, vector<800x16xf32>, vector<800x16xf32>, vector<800x16xf32> -> vector<800x128xf32>
    %get3A_91 = arith.constant 0 : index
    %get3A_92 = arith.constant 0 : index
    %get3A_93 = vector.load %arg9[%get3A_91, %get3A_92] : memref<128x128xf32, #tpu.memory_space<vmem>>, vector<128x128xf32>
    %dot_general3A_94 = arith.constant dense<0.000000e+00> : vector<800x128xf32>
    %dot_general3A_95 = tpu.matmul %concatenate3A, %get3A_93, %dot_general3A_94 {dimension_numbers = #tpu.dot_dimension_numbers<[1], [0], [0], [1], [0, 0, 1, 1], [], []>, transpose_lhs_hint = false} : vector<800x128xf32>, vector<128x128xf32>, vector<800x128xf32> -> vector<800x128xf32>
    %get3A_96 = arith.constant 0 : index
    %get3A_97 = arith.constant 0 : index
    %get3A_98 = vector.load %arg10[%get3A_96, %get3A_97] : memref<1x128xf32, #tpu.memory_space<vmem>>, vector<1x128xf32>
    %add3A_99 = vector.broadcast %get3A_98 : vector<1x128xf32> to vector<800x128xf32>
    %add3A_100 = arith.addf %dot_general3A_95, %add3A_99 : vector<800x128xf32>
    %max3A = arith.constant 0.000000e+00 : f32
    %max3A_101 = vector.broadcast %max3A : f32 to vector<800x128xf32>
    %max3A_102 = arith.maximumf %add3A_100, %max3A_101 : vector<800x128xf32>
    %get3A_103 = arith.constant 0 : index
    %get3A_104 = arith.constant 0 : index
    %get3A_105 = vector.load %arg3[%get3A_103, %get3A_104] : memref<800x256xf32, #tpu.memory_space<vmem>>, vector<800x256xf32>
    %get3A_106 = arith.constant 0 : index
    %get3A_107 = arith.constant 0 : index
    %get3A_108 = vector.load %arg4[%get3A_106, %get3A_107] : memref<800x256xf32, #tpu.memory_space<vmem>>, vector<800x256xf32>
    %mul3A_109 = arith.mulf %get3A_105, %get3A_108 : vector<800x256xf32>
    %get3A_110 = arith.constant 0 : index
    %get3A_111 = arith.constant 0 : index
    %get3A_112 = vector.load %arg13[%get3A_110, %get3A_111] : memref<256x256xf32, #tpu.memory_space<vmem>>, vector<256x256xf32>
    %dot_general3A_113 = arith.constant dense<0.000000e+00> : vector<800x256xf32>
    %dot_general3A_114 = tpu.matmul %mul3A_109, %get3A_112, %dot_general3A_113 {dimension_numbers = #tpu.dot_dimension_numbers<[1], [0], [0], [1], [0, 0, 1, 1], [], []>, transpose_lhs_hint = false} : vector<800x256xf32>, vector<256x256xf32>, vector<800x256xf32> -> vector<800x256xf32>
    %get3A_115 = arith.constant 0 : index
    %get3A_116 = arith.constant 0 : index
    %get3A_117 = vector.load %arg11[%get3A_115, %get3A_116] : memref<256x4096xf32, #tpu.memory_space<vmem>>, vector<256x256xf32>
    %dot_general3A_118 = arith.constant dense<0.000000e+00> : vector<800x256xf32>
    %dot_general3A_119 = tpu.matmul %mul3A_109, %get3A_117, %dot_general3A_118 {dimension_numbers = #tpu.dot_dimension_numbers<[1], [0], [0], [1], [0, 0, 1, 1], [], []>, transpose_lhs_hint = false} : vector<800x256xf32>, vector<256x256xf32>, vector<800x256xf32> -> vector<800x256xf32>
    %get3A_120 = arith.constant 0 : index
    %get3A_121 = arith.constant 0 : index
    %get3A_122 = vector.load %arg12[%get3A_120, %get3A_121] : memref<128x4096xf32, #tpu.memory_space<vmem>>, vector<128x256xf32>
    %dot_general3A_123 = arith.constant dense<0.000000e+00> : vector<800x256xf32>
    %dot_general3A_124 = tpu.matmul %max3A_102, %get3A_122, %dot_general3A_123 {dimension_numbers = #tpu.dot_dimension_numbers<[1], [0], [0], [1], [0, 0, 1, 1], [], []>, transpose_lhs_hint = false} : vector<800x128xf32>, vector<128x256xf32>, vector<800x256xf32> -> vector<800x256xf32>
    %mul3A_125 = arith.mulf %dot_general3A_119, %dot_general3A_124 : vector<800x256xf32>
    %add3A_126 = arith.addf %dot_general3A_114, %mul3A_125 : vector<800x256xf32>
    %get3A_127 = arith.constant 0 : index
    %get3A_128 = arith.constant 256 : index
    %get3A_129 = vector.load %arg11[%get3A_127, %get3A_128] : memref<256x4096xf32, #tpu.memory_space<vmem>>, vector<256x256xf32>
    %dot_general3A_130 = arith.constant dense<0.000000e+00> : vector<800x256xf32>
    %dot_general3A_131 = tpu.matmul %mul3A_109, %get3A_129, %dot_general3A_130 {dimension_numbers = #tpu.dot_dimension_numbers<[1], [0], [0], [1], [0, 0, 1, 1], [], []>, transpose_lhs_hint = false} : vector<800x256xf32>, vector<256x256xf32>, vector<800x256xf32> -> vector<800x256xf32>
    %get3A_132 = arith.constant 0 : index
    %get3A_133 = arith.constant 256 : index
    %get3A_134 = vector.load %arg12[%get3A_132, %get3A_133] : memref<128x4096xf32, #tpu.memory_space<vmem>>, vector<128x256xf32>
    %dot_general3A_135 = arith.constant dense<0.000000e+00> : vector<800x256xf32>
    %dot_general3A_136 = tpu.matmul %max3A_102, %get3A_134, %dot_general3A_135 {dimension_numbers = #tpu.dot_dimension_numbers<[1], [0], [0], [1], [0, 0, 1, 1], [], []>, transpose_lhs_hint = false} : vector<800x128xf32>, vector<128x256xf32>, vector<800x256xf32> -> vector<800x256xf32>
    %mul3A_137 = arith.mulf %dot_general3A_131, %dot_general3A_136 : vector<800x256xf32>
    %add3A_138 = arith.addf %add3A_126, %mul3A_137 : vector<800x256xf32>
    %get3A_139 = arith.constant 0 : index
    %get3A_140 = arith.constant 512 : index
    %get3A_141 = vector.load %arg11[%get3A_139, %get3A_140] : memref<256x4096xf32, #tpu.memory_space<vmem>>, vector<256x256xf32>
    %dot_general3A_142 = arith.constant dense<0.000000e+00> : vector<800x256xf32>
    %dot_general3A_143 = tpu.matmul %mul3A_109, %get3A_141, %dot_general3A_142 {dimension_numbers = #tpu.dot_dimension_numbers<[1], [0], [0], [1], [0, 0, 1, 1], [], []>, transpose_lhs_hint = false} : vector<800x256xf32>, vector<256x256xf32>, vector<800x256xf32> -> vector<800x256xf32>
    %get3A_144 = arith.constant 0 : index
    %get3A_145 = arith.constant 512 : index
    %get3A_146 = vector.load %arg12[%get3A_144, %get3A_145] : memref<128x4096xf32, #tpu.memory_space<vmem>>, vector<128x256xf32>
    %dot_general3A_147 = arith.constant dense<0.000000e+00> : vector<800x256xf32>
    %dot_general3A_148 = tpu.matmul %max3A_102, %get3A_146, %dot_general3A_147 {dimension_numbers = #tpu.dot_dimension_numbers<[1], [0], [0], [1], [0, 0, 1, 1], [], []>, transpose_lhs_hint = false} : vector<800x128xf32>, vector<128x256xf32>, vector<800x256xf32> -> vector<800x256xf32>
    %mul3A_149 = arith.mulf %dot_general3A_143, %dot_general3A_148 : vector<800x256xf32>
    %add3A_150 = arith.addf %add3A_138, %mul3A_149 : vector<800x256xf32>
    %get3A_151 = arith.constant 0 : index
    %get3A_152 = arith.constant 768 : index
    %get3A_153 = vector.load %arg11[%get3A_151, %get3A_152] : memref<256x4096xf32, #tpu.memory_space<vmem>>, vector<256x256xf32>
    %dot_general3A_154 = arith.constant dense<0.000000e+00> : vector<800x256xf32>
    %dot_general3A_155 = tpu.matmul %mul3A_109, %get3A_153, %dot_general3A_154 {dimension_numbers = #tpu.dot_dimension_numbers<[1], [0], [0], [1], [0, 0, 1, 1], [], []>, transpose_lhs_hint = false} : vector<800x256xf32>, vector<256x256xf32>, vector<800x256xf32> -> vector<800x256xf32>
    %get3A_156 = arith.constant 0 : index
    %get3A_157 = arith.constant 768 : index
    %get3A_158 = vector.load %arg12[%get3A_156, %get3A_157] : memref<128x4096xf32, #tpu.memory_space<vmem>>, vector<128x256xf32>
    %dot_general3A_159 = arith.constant dense<0.000000e+00> : vector<800x256xf32>
    %dot_general3A_160 = tpu.matmul %max3A_102, %get3A_158, %dot_general3A_159 {dimension_numbers = #tpu.dot_dimension_numbers<[1], [0], [0], [1], [0, 0, 1, 1], [], []>, transpose_lhs_hint = false} : vector<800x128xf32>, vector<128x256xf32>, vector<800x256xf32> -> vector<800x256xf32>
    %mul3A_161 = arith.mulf %dot_general3A_155, %dot_general3A_160 : vector<800x256xf32>
    %add3A_162 = arith.addf %add3A_150, %mul3A_161 : vector<800x256xf32>
    %get3A_163 = arith.constant 0 : index
    %get3A_164 = arith.constant 1024 : index
    %get3A_165 = vector.load %arg11[%get3A_163, %get3A_164] : memref<256x4096xf32, #tpu.memory_space<vmem>>, vector<256x256xf32>
    %dot_general3A_166 = arith.constant dense<0.000000e+00> : vector<800x256xf32>
    %dot_general3A_167 = tpu.matmul %mul3A_109, %get3A_165, %dot_general3A_166 {dimension_numbers = #tpu.dot_dimension_numbers<[1], [0], [0], [1], [0, 0, 1, 1], [], []>, transpose_lhs_hint = false} : vector<800x256xf32>, vector<256x256xf32>, vector<800x256xf32> -> vector<800x256xf32>
    %get3A_168 = arith.constant 0 : index
    %get3A_169 = arith.constant 1024 : index
    %get3A_170 = vector.load %arg12[%get3A_168, %get3A_169] : memref<128x4096xf32, #tpu.memory_space<vmem>>, vector<128x256xf32>
    %dot_general3A_171 = arith.constant dense<0.000000e+00> : vector<800x256xf32>
    %dot_general3A_172 = tpu.matmul %max3A_102, %get3A_170, %dot_general3A_171 {dimension_numbers = #tpu.dot_dimension_numbers<[1], [0], [0], [1], [0, 0, 1, 1], [], []>, transpose_lhs_hint = false} : vector<800x128xf32>, vector<128x256xf32>, vector<800x256xf32> -> vector<800x256xf32>
    %mul3A_173 = arith.mulf %dot_general3A_167, %dot_general3A_172 : vector<800x256xf32>
    %add3A_174 = arith.addf %add3A_162, %mul3A_173 : vector<800x256xf32>
    %get3A_175 = arith.constant 0 : index
    %get3A_176 = arith.constant 1280 : index
    %get3A_177 = vector.load %arg11[%get3A_175, %get3A_176] : memref<256x4096xf32, #tpu.memory_space<vmem>>, vector<256x256xf32>
    %dot_general3A_178 = arith.constant dense<0.000000e+00> : vector<800x256xf32>
    %dot_general3A_179 = tpu.matmul %mul3A_109, %get3A_177, %dot_general3A_178 {dimension_numbers = #tpu.dot_dimension_numbers<[1], [0], [0], [1], [0, 0, 1, 1], [], []>, transpose_lhs_hint = false} : vector<800x256xf32>, vector<256x256xf32>, vector<800x256xf32> -> vector<800x256xf32>
    %get3A_180 = arith.constant 0 : index
    %get3A_181 = arith.constant 1280 : index
    %get3A_182 = vector.load %arg12[%get3A_180, %get3A_181] : memref<128x4096xf32, #tpu.memory_space<vmem>>, vector<128x256xf32>
    %dot_general3A_183 = arith.constant dense<0.000000e+00> : vector<800x256xf32>
    %dot_general3A_184 = tpu.matmul %max3A_102, %get3A_182, %dot_general3A_183 {dimension_numbers = #tpu.dot_dimension_numbers<[1], [0], [0], [1], [0, 0, 1, 1], [], []>, transpose_lhs_hint = false} : vector<800x128xf32>, vector<128x256xf32>, vector<800x256xf32> -> vector<800x256xf32>
    %mul3A_185 = arith.mulf %dot_general3A_179, %dot_general3A_184 : vector<800x256xf32>
    %add3A_186 = arith.addf %add3A_174, %mul3A_185 : vector<800x256xf32>
    %get3A_187 = arith.constant 0 : index
    %get3A_188 = arith.constant 1536 : index
    %get3A_189 = vector.load %arg11[%get3A_187, %get3A_188] : memref<256x4096xf32, #tpu.memory_space<vmem>>, vector<256x256xf32>
    %dot_general3A_190 = arith.constant dense<0.000000e+00> : vector<800x256xf32>
    %dot_general3A_191 = tpu.matmul %mul3A_109, %get3A_189, %dot_general3A_190 {dimension_numbers = #tpu.dot_dimension_numbers<[1], [0], [0], [1], [0, 0, 1, 1], [], []>, transpose_lhs_hint = false} : vector<800x256xf32>, vector<256x256xf32>, vector<800x256xf32> -> vector<800x256xf32>
    %get3A_192 = arith.constant 0 : index
    %get3A_193 = arith.constant 1536 : index
    %get3A_194 = vector.load %arg12[%get3A_192, %get3A_193] : memref<128x4096xf32, #tpu.memory_space<vmem>>, vector<128x256xf32>
    %dot_general3A_195 = arith.constant dense<0.000000e+00> : vector<800x256xf32>
    %dot_general3A_196 = tpu.matmul %max3A_102, %get3A_194, %dot_general3A_195 {dimension_numbers = #tpu.dot_dimension_numbers<[1], [0], [0], [1], [0, 0, 1, 1], [], []>, transpose_lhs_hint = false} : vector<800x128xf32>, vector<128x256xf32>, vector<800x256xf32> -> vector<800x256xf32>
    %mul3A_197 = arith.mulf %dot_general3A_191, %dot_general3A_196 : vector<800x256xf32>
    %add3A_198 = arith.addf %add3A_186, %mul3A_197 : vector<800x256xf32>
    %get3A_199 = arith.constant 0 : index
    %get3A_200 = arith.constant 1792 : index
    %get3A_201 = vector.load %arg11[%get3A_199, %get3A_200] : memref<256x4096xf32, #tpu.memory_space<vmem>>, vector<256x256xf32>
    %dot_general3A_202 = arith.constant dense<0.000000e+00> : vector<800x256xf32>
    %dot_general3A_203 = tpu.matmul %mul3A_109, %get3A_201, %dot_general3A_202 {dimension_numbers = #tpu.dot_dimension_numbers<[1], [0], [0], [1], [0, 0, 1, 1], [], []>, transpose_lhs_hint = false} : vector<800x256xf32>, vector<256x256xf32>, vector<800x256xf32> -> vector<800x256xf32>
    %get3A_204 = arith.constant 0 : index
    %get3A_205 = arith.constant 1792 : index
    %get3A_206 = vector.load %arg12[%get3A_204, %get3A_205] : memref<128x4096xf32, #tpu.memory_space<vmem>>, vector<128x256xf32>
    %dot_general3A_207 = arith.constant dense<0.000000e+00> : vector<800x256xf32>
    %dot_general3A_208 = tpu.matmul %max3A_102, %get3A_206, %dot_general3A_207 {dimension_numbers = #tpu.dot_dimension_numbers<[1], [0], [0], [1], [0, 0, 1, 1], [], []>, transpose_lhs_hint = false} : vector<800x128xf32>, vector<128x256xf32>, vector<800x256xf32> -> vector<800x256xf32>
    %mul3A_209 = arith.mulf %dot_general3A_203, %dot_general3A_208 : vector<800x256xf32>
    %add3A_210 = arith.addf %add3A_198, %mul3A_209 : vector<800x256xf32>
    %get3A_211 = arith.constant 0 : index
    %get3A_212 = arith.constant 2048 : index
    %get3A_213 = vector.load %arg11[%get3A_211, %get3A_212] : memref<256x4096xf32, #tpu.memory_space<vmem>>, vector<256x256xf32>
    %dot_general3A_214 = arith.constant dense<0.000000e+00> : vector<800x256xf32>
    %dot_general3A_215 = tpu.matmul %mul3A_109, %get3A_213, %dot_general3A_214 {dimension_numbers = #tpu.dot_dimension_numbers<[1], [0], [0], [1], [0, 0, 1, 1], [], []>, transpose_lhs_hint = false} : vector<800x256xf32>, vector<256x256xf32>, vector<800x256xf32> -> vector<800x256xf32>
    %get3A_216 = arith.constant 0 : index
    %get3A_217 = arith.constant 2048 : index
    %get3A_218 = vector.load %arg12[%get3A_216, %get3A_217] : memref<128x4096xf32, #tpu.memory_space<vmem>>, vector<128x256xf32>
    %dot_general3A_219 = arith.constant dense<0.000000e+00> : vector<800x256xf32>
    %dot_general3A_220 = tpu.matmul %max3A_102, %get3A_218, %dot_general3A_219 {dimension_numbers = #tpu.dot_dimension_numbers<[1], [0], [0], [1], [0, 0, 1, 1], [], []>, transpose_lhs_hint = false} : vector<800x128xf32>, vector<128x256xf32>, vector<800x256xf32> -> vector<800x256xf32>
    %mul3A_221 = arith.mulf %dot_general3A_215, %dot_general3A_220 : vector<800x256xf32>
    %add3A_222 = arith.addf %add3A_210, %mul3A_221 : vector<800x256xf32>
    %get3A_223 = arith.constant 0 : index
    %get3A_224 = arith.constant 2304 : index
    %get3A_225 = vector.load %arg11[%get3A_223, %get3A_224] : memref<256x4096xf32, #tpu.memory_space<vmem>>, vector<256x256xf32>
    %dot_general3A_226 = arith.constant dense<0.000000e+00> : vector<800x256xf32>
    %dot_general3A_227 = tpu.matmul %mul3A_109, %get3A_225, %dot_general3A_226 {dimension_numbers = #tpu.dot_dimension_numbers<[1], [0], [0], [1], [0, 0, 1, 1], [], []>, transpose_lhs_hint = false} : vector<800x256xf32>, vector<256x256xf32>, vector<800x256xf32> -> vector<800x256xf32>
    %get3A_228 = arith.constant 0 : index
    %get3A_229 = arith.constant 2304 : index
    %get3A_230 = vector.load %arg12[%get3A_228, %get3A_229] : memref<128x4096xf32, #tpu.memory_space<vmem>>, vector<128x256xf32>
    %dot_general3A_231 = arith.constant dense<0.000000e+00> : vector<800x256xf32>
    %dot_general3A_232 = tpu.matmul %max3A_102, %get3A_230, %dot_general3A_231 {dimension_numbers = #tpu.dot_dimension_numbers<[1], [0], [0], [1], [0, 0, 1, 1], [], []>, transpose_lhs_hint = false} : vector<800x128xf32>, vector<128x256xf32>, vector<800x256xf32> -> vector<800x256xf32>
    %mul3A_233 = arith.mulf %dot_general3A_227, %dot_general3A_232 : vector<800x256xf32>
    %add3A_234 = arith.addf %add3A_222, %mul3A_233 : vector<800x256xf32>
    %get3A_235 = arith.constant 0 : index
    %get3A_236 = arith.constant 2560 : index
    %get3A_237 = vector.load %arg11[%get3A_235, %get3A_236] : memref<256x4096xf32, #tpu.memory_space<vmem>>, vector<256x256xf32>
    %dot_general3A_238 = arith.constant dense<0.000000e+00> : vector<800x256xf32>
    %dot_general3A_239 = tpu.matmul %mul3A_109, %get3A_237, %dot_general3A_238 {dimension_numbers = #tpu.dot_dimension_numbers<[1], [0], [0], [1], [0, 0, 1, 1], [], []>, transpose_lhs_hint = false} : vector<800x256xf32>, vector<256x256xf32>, vector<800x256xf32> -> vector<800x256xf32>
    %get3A_240 = arith.constant 0 : index
    %get3A_241 = arith.constant 2560 : index
    %get3A_242 = vector.load %arg12[%get3A_240, %get3A_241] : memref<128x4096xf32, #tpu.memory_space<vmem>>, vector<128x256xf32>
    %dot_general3A_243 = arith.constant dense<0.000000e+00> : vector<800x256xf32>
    %dot_general3A_244 = tpu.matmul %max3A_102, %get3A_242, %dot_general3A_243 {dimension_numbers = #tpu.dot_dimension_numbers<[1], [0], [0], [1], [0, 0, 1, 1], [], []>, transpose_lhs_hint = false} : vector<800x128xf32>, vector<128x256xf32>, vector<800x256xf32> -> vector<800x256xf32>
    %mul3A_245 = arith.mulf %dot_general3A_239, %dot_general3A_244 : vector<800x256xf32>
    %add3A_246 = arith.addf %add3A_234, %mul3A_245 : vector<800x256xf32>
    %get3A_247 = arith.constant 0 : index
    %get3A_248 = arith.constant 2816 : index
    %get3A_249 = vector.load %arg11[%get3A_247, %get3A_248] : memref<256x4096xf32, #tpu.memory_space<vmem>>, vector<256x256xf32>
    %dot_general3A_250 = arith.constant dense<0.000000e+00> : vector<800x256xf32>
    %dot_general3A_251 = tpu.matmul %mul3A_109, %get3A_249, %dot_general3A_250 {dimension_numbers = #tpu.dot_dimension_numbers<[1], [0], [0], [1], [0, 0, 1, 1], [], []>, transpose_lhs_hint = false} : vector<800x256xf32>, vector<256x256xf32>, vector<800x256xf32> -> vector<800x256xf32>
    %get3A_252 = arith.constant 0 : index
    %get3A_253 = arith.constant 2816 : index
    %get3A_254 = vector.load %arg12[%get3A_252, %get3A_253] : memref<128x4096xf32, #tpu.memory_space<vmem>>, vector<128x256xf32>
    %dot_general3A_255 = arith.constant dense<0.000000e+00> : vector<800x256xf32>
    %dot_general3A_256 = tpu.matmul %max3A_102, %get3A_254, %dot_general3A_255 {dimension_numbers = #tpu.dot_dimension_numbers<[1], [0], [0], [1], [0, 0, 1, 1], [], []>, transpose_lhs_hint = false} : vector<800x128xf32>, vector<128x256xf32>, vector<800x256xf32> -> vector<800x256xf32>
    %mul3A_257 = arith.mulf %dot_general3A_251, %dot_general3A_256 : vector<800x256xf32>
    %add3A_258 = arith.addf %add3A_246, %mul3A_257 : vector<800x256xf32>
    %get3A_259 = arith.constant 0 : index
    %get3A_260 = arith.constant 3072 : index
    %get3A_261 = vector.load %arg11[%get3A_259, %get3A_260] : memref<256x4096xf32, #tpu.memory_space<vmem>>, vector<256x256xf32>
    %dot_general3A_262 = arith.constant dense<0.000000e+00> : vector<800x256xf32>
    %dot_general3A_263 = tpu.matmul %mul3A_109, %get3A_261, %dot_general3A_262 {dimension_numbers = #tpu.dot_dimension_numbers<[1], [0], [0], [1], [0, 0, 1, 1], [], []>, transpose_lhs_hint = false} : vector<800x256xf32>, vector<256x256xf32>, vector<800x256xf32> -> vector<800x256xf32>
    %get3A_264 = arith.constant 0 : index
    %get3A_265 = arith.constant 3072 : index
    %get3A_266 = vector.load %arg12[%get3A_264, %get3A_265] : memref<128x4096xf32, #tpu.memory_space<vmem>>, vector<128x256xf32>
    %dot_general3A_267 = arith.constant dense<0.000000e+00> : vector<800x256xf32>
    %dot_general3A_268 = tpu.matmul %max3A_102, %get3A_266, %dot_general3A_267 {dimension_numbers = #tpu.dot_dimension_numbers<[1], [0], [0], [1], [0, 0, 1, 1], [], []>, transpose_lhs_hint = false} : vector<800x128xf32>, vector<128x256xf32>, vector<800x256xf32> -> vector<800x256xf32>
    %mul3A_269 = arith.mulf %dot_general3A_263, %dot_general3A_268 : vector<800x256xf32>
    %add3A_270 = arith.addf %add3A_258, %mul3A_269 : vector<800x256xf32>
    %get3A_271 = arith.constant 0 : index
    %get3A_272 = arith.constant 3328 : index
    %get3A_273 = vector.load %arg11[%get3A_271, %get3A_272] : memref<256x4096xf32, #tpu.memory_space<vmem>>, vector<256x256xf32>
    %dot_general3A_274 = arith.constant dense<0.000000e+00> : vector<800x256xf32>
    %dot_general3A_275 = tpu.matmul %mul3A_109, %get3A_273, %dot_general3A_274 {dimension_numbers = #tpu.dot_dimension_numbers<[1], [0], [0], [1], [0, 0, 1, 1], [], []>, transpose_lhs_hint = false} : vector<800x256xf32>, vector<256x256xf32>, vector<800x256xf32> -> vector<800x256xf32>
    %get3A_276 = arith.constant 0 : index
    %get3A_277 = arith.constant 3328 : index
    %get3A_278 = vector.load %arg12[%get3A_276, %get3A_277] : memref<128x4096xf32, #tpu.memory_space<vmem>>, vector<128x256xf32>
    %dot_general3A_279 = arith.constant dense<0.000000e+00> : vector<800x256xf32>
    %dot_general3A_280 = tpu.matmul %max3A_102, %get3A_278, %dot_general3A_279 {dimension_numbers = #tpu.dot_dimension_numbers<[1], [0], [0], [1], [0, 0, 1, 1], [], []>, transpose_lhs_hint = false} : vector<800x128xf32>, vector<128x256xf32>, vector<800x256xf32> -> vector<800x256xf32>
    %mul3A_281 = arith.mulf %dot_general3A_275, %dot_general3A_280 : vector<800x256xf32>
    %add3A_282 = arith.addf %add3A_270, %mul3A_281 : vector<800x256xf32>
    %get3A_283 = arith.constant 0 : index
    %get3A_284 = arith.constant 3584 : index
    %get3A_285 = vector.load %arg11[%get3A_283, %get3A_284] : memref<256x4096xf32, #tpu.memory_space<vmem>>, vector<256x256xf32>
    %dot_general3A_286 = arith.constant dense<0.000000e+00> : vector<800x256xf32>
    %dot_general3A_287 = tpu.matmul %mul3A_109, %get3A_285, %dot_general3A_286 {dimension_numbers = #tpu.dot_dimension_numbers<[1], [0], [0], [1], [0, 0, 1, 1], [], []>, transpose_lhs_hint = false} : vector<800x256xf32>, vector<256x256xf32>, vector<800x256xf32> -> vector<800x256xf32>
    %get3A_288 = arith.constant 0 : index
    %get3A_289 = arith.constant 3584 : index
    %get3A_290 = vector.load %arg12[%get3A_288, %get3A_289] : memref<128x4096xf32, #tpu.memory_space<vmem>>, vector<128x256xf32>
    %dot_general3A_291 = arith.constant dense<0.000000e+00> : vector<800x256xf32>
    %dot_general3A_292 = tpu.matmul %max3A_102, %get3A_290, %dot_general3A_291 {dimension_numbers = #tpu.dot_dimension_numbers<[1], [0], [0], [1], [0, 0, 1, 1], [], []>, transpose_lhs_hint = false} : vector<800x128xf32>, vector<128x256xf32>, vector<800x256xf32> -> vector<800x256xf32>
    %mul3A_293 = arith.mulf %dot_general3A_287, %dot_general3A_292 : vector<800x256xf32>
    %add3A_294 = arith.addf %add3A_282, %mul3A_293 : vector<800x256xf32>
    %get3A_295 = arith.constant 0 : index
    %get3A_296 = arith.constant 3840 : index
    %get3A_297 = vector.load %arg11[%get3A_295, %get3A_296] : memref<256x4096xf32, #tpu.memory_space<vmem>>, vector<256x256xf32>
    %dot_general3A_298 = arith.constant dense<0.000000e+00> : vector<800x256xf32>
    %dot_general3A_299 = tpu.matmul %mul3A_109, %get3A_297, %dot_general3A_298 {dimension_numbers = #tpu.dot_dimension_numbers<[1], [0], [0], [1], [0, 0, 1, 1], [], []>, transpose_lhs_hint = false} : vector<800x256xf32>, vector<256x256xf32>, vector<800x256xf32> -> vector<800x256xf32>
    %get3A_300 = arith.constant 0 : index
    %get3A_301 = arith.constant 3840 : index
    %get3A_302 = vector.load %arg12[%get3A_300, %get3A_301] : memref<128x4096xf32, #tpu.memory_space<vmem>>, vector<128x256xf32>
    %dot_general3A_303 = arith.constant dense<0.000000e+00> : vector<800x256xf32>
    %dot_general3A_304 = tpu.matmul %max3A_102, %get3A_302, %dot_general3A_303 {dimension_numbers = #tpu.dot_dimension_numbers<[1], [0], [0], [1], [0, 0, 1, 1], [], []>, transpose_lhs_hint = false} : vector<800x128xf32>, vector<128x256xf32>, vector<800x256xf32> -> vector<800x256xf32>
    %mul3A_305 = arith.mulf %dot_general3A_299, %dot_general3A_304 : vector<800x256xf32>
    %add3A_306 = arith.addf %add3A_294, %mul3A_305 : vector<800x256xf32>
    %swap3A = arith.constant 0 : index
    %swap3A_307 = arith.constant 0 : index
    %swap3A_308 = vector.load %arg14[%swap3A, %swap3A_307] : memref<800x256xf32, #tpu.memory_space<vmem>>, vector<800x256xf32>
    tpu.vector_store %arg14[%swap3A, %swap3A_307], %add3A_306 {strides = array<i32>} : memref<800x256xf32, #tpu.memory_space<vmem>>, vector<800x256xf32>,
    return
  }
  func.func @transform_0(%arg0: i32) -> (i32, i32) {
    %c0_i32 = arith.constant 0 : i32
    %c0_i32_0 = arith.constant 0 : i32
    return %arg0, %c0_i32 : i32, i32
  }
  func.func @transform_1(%arg0: i32) -> (i32, i32) {
    %c0_i32 = arith.constant 0 : i32
    %c0_i32_0 = arith.constant 0 : i32
    return %arg0, %c0_i32 : i32, i32
  }
  func.func @transform_2(%arg0: i32) -> (i32, i32) {
    %c0_i32 = arith.constant 0 : i32
    %c0_i32_0 = arith.constant 0 : i32
    return %arg0, %c0_i32 : i32, i32
  }
  func.func @transform_3(%arg0: i32) -> (i32, i32) {
    %c0_i32 = arith.constant 0 : i32
    %c0_i32_0 = arith.constant 0 : i32
    return %arg0, %c0_i32 : i32, i32
  }
  func.func @transform_4(%arg0: i32) -> (i32, i32) {
    %c0_i32 = arith.constant 0 : i32
    %c0_i32_0 = arith.constant 0 : i32
    %c0_i32_1 = arith.constant 0 : i32
    return %c0_i32, %c0_i32_0 : i32, i32
  }
  func.func @transform_5(%arg0: i32) -> (i32, i32) {
    %c0_i32 = arith.constant 0 : i32
    %c0_i32_0 = arith.constant 0 : i32
    %c0_i32_1 = arith.constant 0 : i32
    return %c0_i32, %c0_i32_0 : i32, i32
  }
  func.func @transform_6(%arg0: i32) -> (i32, i32) {
    %c0_i32 = arith.constant 0 : i32
    %c0_i32_0 = arith.constant 0 : i32
    %c0_i32_1 = arith.constant 0 : i32
    return %c0_i32, %c0_i32_0 : i32, i32
  }
  func.func @transform_7(%arg0: i32) -> (i32, i32) {
    %c0_i32 = arith.constant 0 : i32
    %c0_i32_0 = arith.constant 0 : i32
    %c0_i32_1 = arith.constant 0 : i32
    return %c0_i32, %c0_i32_0 : i32, i32
  }
  func.func @transform_8(%arg0: i32) -> (i32, i32) {
    %c0_i32 = arith.constant 0 : i32
    %c0_i32_0 = arith.constant 0 : i32
    %c0_i32_1 = arith.constant 0 : i32
    return %c0_i32, %c0_i32_0 : i32, i32
  }
  func.func @transform_9(%arg0: i32) -> (i32, i32) {
    %c0_i32 = arith.constant 0 : i32
    %c0_i32_0 = arith.constant 0 : i32
    %c0_i32_1 = arith.constant 0 : i32
    return %c0_i32, %c0_i32_0 : i32, i32
  }
  func.func @transform_10(%arg0: i32) -> (i32, i32) {
    %c0_i32 = arith.constant 0 : i32
    %c0_i32_0 = arith.constant 0 : i32
    %c0_i32_1 = arith.constant 0 : i32
    return %c0_i32, %c0_i32_0 : i32, i32
  }
  func.func @transform_11(%arg0: i32) -> (i32, i32) {
    %c0_i32 = arith.constant 0 : i32
    %c0_i32_0 = arith.constant 0 : i32
    %c0_i32_1 = arith.constant 0 : i32
    return %c0_i32, %c0_i32_0 : i32, i32
  }
  func.func @transform_12(%arg0: i32) -> (i32, i32) {
    %c0_i32 = arith.constant 0 : i32
    %c0_i32_0 = arith.constant 0 : i32
    %c0_i32_1 = arith.constant 0 : i32
    return %c0_i32, %c0_i32_0 : i32, i32
  }
  func.func @transform_13(%arg0: i32) -> (i32, i32) {
    %c0_i32 = arith.constant 0 : i32
    %c0_i32_0 = arith.constant 0 : i32
    return %arg0, %c0_i32 : i32, i32
  }
}

module attributes {stable_mosaic.version = 14 : i64} {
  func.func @_final_body(%arg0: memref<2x10000x32xf32, #tpu.memory_space<vmem>>, %arg1: memref<2x10000x16xf32, #tpu.memory_space<vmem>>, %arg2: memref<10000x32xf32, #tpu.memory_space<vmem>>, %arg3: memref<10000x32xf32, #tpu.memory_space<vmem>>, %arg4: memref<10000x32xf32, #tpu.memory_space<vmem>>) attributes {dimension_semantics = [], scalar_prefetch = 0 : i64, scratch_operands = 0 : i64, tpu.core_type = #tpu.core_type<tc>} {
    %get3A = arith.constant 0 : index
    %get3A_0 = arith.constant 0 : index
    %get3A_1 = arith.constant 0 : index
    %get3A_2 = vector.load %arg0[%get3A, %get3A_0, %get3A_1] : memref<2x10000x32xf32, #tpu.memory_space<vmem>>, vector<1x10000x32xf32>
    %get3A_3 = vector.shape_cast %get3A_2 : vector<1x10000x32xf32> to vector<10000x32xf32>
    %get3A_4 = arith.constant 1 : index
    %get3A_5 = arith.constant 0 : index
    %get3A_6 = arith.constant 0 : index
    %get3A_7 = vector.load %arg0[%get3A_4, %get3A_5, %get3A_6] : memref<2x10000x32xf32, #tpu.memory_space<vmem>>, vector<1x10000x32xf32>
    %get3A_8 = vector.shape_cast %get3A_7 : vector<1x10000x32xf32> to vector<10000x32xf32>
    %add3A = arith.addf %get3A_3, %get3A_8 : vector<10000x32xf32>
    %get3A_9 = arith.constant 0 : index
    %get3A_10 = arith.constant 0 : index
    %get3A_11 = arith.constant 0 : index
    %get3A_12 = vector.load %arg1[%get3A_9, %get3A_10, %get3A_11] : memref<2x10000x16xf32, #tpu.memory_space<vmem>>, vector<1x10000x16xf32>
    %get3A_13 = vector.shape_cast %get3A_12 : vector<1x10000x16xf32> to vector<10000x16xf32>
    %get3A_14 = arith.constant 1 : index
    %get3A_15 = arith.constant 0 : index
    %get3A_16 = arith.constant 0 : index
    %get3A_17 = vector.load %arg1[%get3A_14, %get3A_15, %get3A_16] : memref<2x10000x16xf32, #tpu.memory_space<vmem>>, vector<1x10000x16xf32>
    %get3A_18 = vector.shape_cast %get3A_17 : vector<1x10000x16xf32> to vector<10000x16xf32>
    %add3A_19 = arith.addf %get3A_13, %get3A_18 : vector<10000x16xf32>
    %slice3A = vector.extract_strided_slice %add3A_19 {offsets = [0, 0], sizes = [10000, 1], strides = [1, 1]} : vector<10000x16xf32> to vector<10000x1xf32>
    %jit3A = arith.constant 1.000000e+00 : f32
    %max3A = vector.broadcast %jit3A : f32 to vector<10000x1xf32>
    %max3A_20 = arith.maximumf %max3A, %slice3A : vector<10000x1xf32>
    %div3A = vector.broadcast %max3A_20 : vector<10000x1xf32> to vector<10000x32xf32>
    %div3A_21 = arith.divf %add3A, %div3A : vector<10000x32xf32>
    %get3A_22 = arith.constant 0 : index
    %get3A_23 = arith.constant 0 : index
    %get3A_24 = vector.load %arg2[%get3A_22, %get3A_23] : memref<10000x32xf32, #tpu.memory_space<vmem>>, vector<10000x32xf32>
    %mul3A = arith.mulf %div3A_21, %get3A_24 : vector<10000x32xf32>
    %get3A_25 = arith.constant 0 : index
    %get3A_26 = arith.constant 0 : index
    %get3A_27 = vector.load %arg3[%get3A_25, %get3A_26] : memref<10000x32xf32, #tpu.memory_space<vmem>>, vector<10000x32xf32>
    %add3A_28 = arith.addf %mul3A, %get3A_27 : vector<10000x32xf32>
    %swap3A = arith.constant 0 : index
    %swap3A_29 = arith.constant 0 : index
    %swap3A_30 = vector.load %arg4[%swap3A, %swap3A_29] : memref<10000x32xf32, #tpu.memory_space<vmem>>, vector<10000x32xf32>
    tpu.vector_store %arg4[%swap3A, %swap3A_29], %add3A_28 {strides = array<i32>} : memref<10000x32xf32, #tpu.memory_space<vmem>>, vector<10000x32xf32>,
    return
  }
}

</mosaic_0001>

<sc_bundles>
// kernel: kernel.10.cloned.1.call-start
scs
__scs_entry_jumppad:
0x0: {  	(pc) =	sbr.rel $0x88, $3  }
0x1: {  	(tag) =	ssettag $0x0;
	lr =	simm.s32 $0x1  }
0x2: {  	[smem:$0x3F8F] =	sst lr;
	_ =	strace $0xD0000000  }
0x3: {  	_ = 	snop  }
0x4: {  	_ = 	snop  }
0x5: {  	_ = 	snop  }
0x6: {  	_ = 	snop  }
0x7: {  	_ = 	snop  }
__scs_overlays_trampoline_lowered:
0x8: {  	[smem:$0x3F9E] =	sst s0  }
0x9: {  	[smem:$0x3F9F] =	sst s1  }
0xa: {  	[smem:$0x3FA0] =	sst s2  }
0xb: {  	[smem:$0x3FA1] =	sst s3  }
0xc: {  	[smem:$0x3FA2] =	sst s4  }
0xd: {  	[smem:$0x3FA3] =	sst s5  }
0xe: {  	[smem:$0x3FA4] =	sst s6  }
0xf: {  	[smem:$0x3FA5] =	sst s7  }
0x10: {  	[smem:$0x3FA6] =	sst s8  }
0x11: {  	[smem:$0x3FA7] =	sst s9;
	s0 =	simm.s32 @!p0 $0x0  }
0x12: {  	s1 =	sld [smem:$0x3F8D];
	s0 =	simm.s32 @p0 $0x1  }
0x13: {  	[smem:$0x3FA8] =	sst s0;
	s0 =	simm.s32 @!p1 $0x0  }
0x14: {  	s2 =	sld [smem:$0x3F8C];
	s0 =	simm.s32 @p1 $0x1  }
0x15: {  	[smem:$0x3FA9] =	sst s0;
	s0 =	simm.s32 @!p2 $0x0  }
0x16: {  	s3 =	sld [smem:$0x3FDB];
	s0 =	simm.s32 @p2 $0x1  }
0x17: {  	s4 =	simm.s32 $0x1BF5;
	[smem:$0x3FAB] =	sst s0  }
0x18: {  	s0 =	sld [smem:$0x3F8E];
	_ =	swait.ge [sflag:s4], $0x0  }
0x19: {  	s7 =	sld [smem:$0x3F8F]  }
0x1a: {  	s8 =	sadd.s32 $0xFFFFE003, lr  }
0x1b: {  	s9 =	sadd.s32 $0xFFFFFEF7, lr;
	s5 =	simm.s32 $0xFFFFFFFF;
	p2 =	slt.u32 s8, $0xFFFFF086  }
0x1c: {  	p1 =	slt.u32 s9, $0xF7A;
	s5 =	simm.s32 @!p2 $0x0  }
0x1d: {  	s5 =	simm.s32 @p1 $0x1;
	p0 =	seq.s32 s7, s2  }
0x1e: {  	s7 =	smul.u32 @!p0 $0xF7A, s2;
	p2 =	seq.s32 @!p0 s5, $0x0  }
0x1f: {  	s9 =	smul.u32 $0xF7A, s1;
	s8 =	simm.s32 @!p0 $0x1BF5;
	p2 =	por !p2, p0  }
0x20: {  	[sflag:s8] =	ssyncset.s32 @!p0 $0xFFFFF086;
	s6 =	sadd.s32 @!p0 s3, s7;
	s7 =	simm.s32 @!p0 $0x108  }
0x21: {  	s3 =	sadd.s32 s3, s9;
	s6 =	sadd.s32 @!p0 $0x88, s6;
	s7 =	simm.s32 @p2 $0x1082  }
0x22: {  	[simem:s7], [sflag:s8] =	dma.local @!p0 [hbm:s6], $0xF7A  }
0x23: {  	s9 =	sor.u32 $0xD0000000, s2;
	s6 =	simm.s32 $0x108;
	_ =	swait.ge @!p0 [sflag:s8], $0x0  }
0x24: {  	s3 =	sadd.s32 $0x88, s3;
	s6 =	simm.s32 @!p1 $0x1082;
	[sflag:s4] =	ssyncset.s32 $0xFFFFF086  }
0x25: {  	[simem:s6], [sflag:s4] =	dma.local [hbm:s3], $0xF7A  }
0x26: {  	[smem:$0x3F8F] =	sst s1;
	(tag) =	ssettag s2;
	_ =	strace s9  }
0x27: {  	s1 =	sld [smem:$0x3F9F]  }
0x28: {  	s2 =	sld [smem:$0x3FA0]  }
0x29: {  	s4 =	sld [smem:$0x3FA2]  }
0x2a: {  	p0 =	seq.s32 s5, $0x0;
	s5 =	sld [smem:$0x3FA3]  }
0x2b: {  	s6 =	sld [smem:$0x3FA4]  }
0x2c: {  	s7 =	sld [smem:$0x3FA5]  }
0x2d: {  	s3 =	simm.s32 $0x108;
	s8 =	sld [smem:$0x3FA6]  }
0x2e: {  	s3 =	simm.s32 @!p0 $0x1082;
	s9 =	sld [smem:$0x3FA7]  }
0x2f: {  	lr =	sadd.s32 s0, s3;
	s0 =	sld [smem:$0x3F9E]  }
0x30: {  	s3 =	sld [smem:$0x3FA1]  }
0x31: {  	[smem:$0x3FAA] =	sst s10  }
0x32: {  	s10 =	sld [smem:$0x3FA8];
	_ =	sdelay $0x3  }
0x33: {  	p0 =	seq.s32 s10, $0x1;
	s10 =	sld [smem:$0x3FAA];
	_ =	sdelay $0x3  }
0x34: {  	[smem:$0x3FAA] =	sst s10  }
0x35: {  	s10 =	sld [smem:$0x3FA9];
	_ =	sdelay $0x3  }
0x36: {  	p1 =	seq.s32 s10, $0x1;
	s10 =	sld [smem:$0x3FAA];
	_ =	sdelay $0x3  }
0x37: {  	[smem:$0x3FAA] =	sst s10  }
0x38: {  	s10 =	sld [smem:$0x3FAB]  }
0x39: {  	_ = 	snop;
	(pc) =	sbr.ind lr, $3  }
0x3a: {  	_ = 	snop  }
0x3b: {  	_ = 	snop  }
0x3c: {  	p2 =	seq.s32 s10, $0x1;
	s10 =	sld [smem:$0x3FAA]  }
0x3d: {  	_ =	shalt  }
0x3e: {  	_ =	shalt  }
0x3f: {  	_ =	shalt  }
0x40: {  	_ =	shalt  }
0x41: {  	_ =	shalt  }
0x42: {  	_ =	shalt  }
0x43: {  	_ =	shalt  }
0x44: {  	_ =	shalt  }
0x45: {  	_ =	shalt  }
0x46: {  	_ =	shalt  }
0x47: {  	_ =	shalt  }
0x48: {  	_ =	shalt  }
0x49: {  	_ =	shalt  }
0x4a: {  	_ =	shalt  }
0x4b: {  	_ =	shalt  }
0x4c: {  	_ =	shalt  }
0x4d: {  	_ =	shalt  }
0x4e: {  	_ =	shalt  }
0x4f: {  	_ =	shalt  }
0x50: {  	_ =	shalt  }
0x51: {  	_ =	shalt  }
0x52: {  	_ =	shalt  }
0x53: {  	_ =	shalt  }
0x54: {  	_ =	shalt  }
0x55: {  	_ =	shalt  }
0x56: {  	_ =	shalt  }
0x57: {  	_ =	shalt  }
0x58: {  	_ =	shalt  }
0x59: {  	_ =	shalt  }
0x5a: {  	_ =	shalt  }
0x5b: {  	_ =	shalt  }
0x5c: {  	_ =	shalt  }
0x5d: {  	_ =	shalt  }
0x5e: {  	_ =	shalt  }
0x5f: {  	_ =	shalt  }
0x60: {  	_ =	shalt  }
0x61: {  	_ =	shalt  }
0x62: {  	_ =	shalt  }
0x63: {  	_ =	shalt  }
0x64: {  	_ =	shalt  }
0x65: {  	_ =	shalt  }
0x66: {  	_ =	shalt  }
0x67: {  	_ =	shalt  }
0x68: {  	_ =	shalt  }
0x69: {  	_ =	shalt  }
0x6a: {  	_ =	shalt  }
0x6b: {  	_ =	shalt  }
0x6c: {  	_ =	shalt  }
0x6d: {  	_ =	shalt  }
0x6e: {  	_ =	shalt  }
0x6f: {  	_ =	shalt  }
0x70: {  	_ =	shalt  }
0x71: {  	_ =	shalt  }
0x72: {  	_ =	shalt  }
0x73: {  	_ =	shalt  }
0x74: {  	_ =	shalt  }
0x75: {  	_ =	shalt  }
0x76: {  	_ =	shalt  }
0x77: {  	_ =	shalt  }
0x78: {  	_ =	shalt  }
0x79: {  	_ =	shalt  }
0x7a: {  	_ =	shalt  }
0x7b: {  	_ =	shalt  }
0x7c: {  	_ =	shalt  }
0x7d: {  	_ =	shalt  }
0x7e: {  	_ =	shalt  }
0x7f: {  	_ =	shalt  }
0x80: {  	_ =	shalt  }
0x81: {  	_ =	shalt  }
0x82: {  	_ =	shalt  }
0x83: {  	_ =	shalt  }
0x84: {  	_ =	shalt  }
0x85: {  	_ =	shalt  }
0x86: {  	_ =	shalt  }
0x87: {  	_ =	shalt  }
.Lfunc_end0:
.L_simem_size_0:
called_computation.1_lowered:
.L_overlay_start_0:
0x88: {  	s2 =	sld [smem:$0x3FD9]  }
0x89: {  	s3 =	sld [smem:$0x3FFE];
	_ =	sdelay $0x1  }
0x8a: {  	s1 =	srdreg.scid  }
0x8b: {  	s0 =	sand.u32 $0x1, s1  }
0x8c: {  	s17 =	sshll.u32 s0, $0xA;
	s2 =	sadd.s32 s3, s2  }
0x8d: {  	s2 =	sadd.s32 s2, s17  }
0x8e: {  	[smem:$0x3FB6] =	sst s2  }
0x8f: {  	_ = 	snop  }
0x90: {  	s2 =	sld [smem:$0x3FD0];
	(tm) =	ssettm $0x1  }
0x91: {  	s18 =	sld [smem:$0x3FFB];
	_ =	sdelay $0x3  }
0x92: {  	_ =	strace s18  }
0x93: {  	s3 =	sld [smem:$0x3FFC];
	_ =	sdelay $0x3  }
0x94: {  	_ =	strace s3  }
0x95: {  	s3 =	sld [smem:$0x3FFD];
	_ =	sdelay $0x3  }
0x96: {  	_ =	strace s3  }
0x97: {  	_ =	strace $0x8FFFFFFF  }
0x98: {  	s19 =	sld [smem:$0x3FDB];
	_ =	sdelay $0x1  }
0x99: {  	s4 =	simm.s32 $_scs_section_size  }
0x9a: {  	s5 =	simm.s32 $_size__tile_overlayer_lowered;
	s6 =	simm.s32 $_tile_overlayer_lowered  }
0x9b: {  	s22 =	simm.s32 $0x1BFF;
	s21 =	sshll.u32 s6, $0x1;
	s3 =	sadd.s32 s4, s19  }
0x9c: {  	s7 =	simm.s32 $0x0;
	s20 =	sshll.u32 s5, $0x1;
	s5 =	sadd.s32 s21, s3  }
0x9d: {  	[timem:s7], [sflag:s22] =	dma.local [hbm:s5], s20  }
0x9e: {  	_ =	swait.ge [sflag:s22], s20  }
0x9f: {  	s4 =	ssub.s32 $0x0, s20;
	[sflag:s22] =	ssyncset.done $0x0  }
0xa0: {  	[sflag:s22] =	ssyncadd.s32 s4;
	_ =	sdelay $0x1  }
0xa1: {  	s23 =	simm.s32 $0x1B8B  }
0xa2: {  	_ =	swait.ge [sflag:s23], $0x1  }
0xa3: {  	[sflag:s23] =	ssyncset.done $0x0  }
0xa4: {  	s25 =	simm.s32 $0x1B8E;
	s24 =	sld [smem:$0x3FFE];
	[sflag:s23] =	ssyncadd.s32 $0xFFFFFFFF  }
0xa5: {  	s26 =	simm.s32 $execute0_lowered;
	[smem:$0x3FD2] =	sst s25  }
0xa6: {  	s5 =	sshll.u32 s26, $0x1;
	_ =	strace $0x80000049;
	[dreg:$0x1] =	wrdreg $0xFFFFFFFF  }
0xa7: {  	s28 =	simm.s32 $_size_execute0_lowered;
	s3 =	sadd.s32 s3, s5;
	[dreg:$0x0] =	wrdreg $0x0  }
0xa8: {  	s5 =	sshll.u32 s28, $0x1;
	[dreg:$0x2] =	wrdreg s3  }
0xa9: {  	[dreg:$0x3] =	wrdreg s5  }
0xaa: {  	[dreg:$0x4] =	wrdreg $0xC0  }
0xab: {  	_ =	task [dreg:s7], $0x5FFFF  }
0xac: {  	[dreg:$0x1] =	wrdreg $0xFFFFFFFF  }
0xad: {  	[dreg:$0x0] =	wrdreg $0x60  }
0xae: {  	[dreg:$0x2] =	wrdreg s24  }
0xaf: {  	[dreg:$0x3] =	wrdreg s2  }
0xb0: {  	[dreg:$0x4] =	wrdreg $0x18800  }
0xb1: {  	[dreg:$0x5] =	wrdreg $0x66A00  }
0xb2: {  	[dreg:$0x6] =	wrdreg $0x9  }
0xb3: {  	_ =	task.clear_ibuf [dreg:s7], $0x7FFFF;
	_ =	strace $0x90000049  }
0xb4: {  	s29 =	simm.s32 $0x9;
	_ =	strace $0x8000004B  }
0xb5: {  	_ =	swait.ge [sflag:s29], $0x1  }
0xb6: {  	[sflag:s29] =	ssyncadd.s32 $0xFFFFFFFF  }
0xb7: {  	_ =	strace $0x9000004B  }
0xb8: {  	_ =	sfence  }
0xb9: {  	s30 =	sld [smem:$0x0];
	_ =	sdelay $0x2  }
0xba: {  	s31 =	sshll.u32 s1, $0xD;
	s1 =	sshrl.u32 s1, $0x2  }
0xbb: {  	s3 =	sand.u32 $0x4000, s31;
	s1 =	sadd.s32 s1, s30  }
0xbc: {  	s0 =	sor.u32 s3, s0;
	s1 =	sshll.u32 s1, $0x11  }
0xbd: {  	s0 =	sor.u32 s1, s0  }
0xbe: {  	s0 =	sadd.s32 $0x8F2B, s0  }
0xbf: {  	[sflag:s0] =	ssyncadd.remote.s32 $0x1  }
0xc0: {  	_ =	sfence.sel $0xFFFF  }
0xc1: {  	[dreg:$0x0] =	wrdreg $0xFFFFFFFF;
	(pc) =	sbr.abs _section_cstart, $3  }
0xc2: {  	[dreg:$0x1] =	wrdreg $0xFFFFFFFF  }
0xc3: {  	_ =	task.clear_ibuf [dreg:s7], $0x2FFFF;
	_ =	strace $0x9FFFFFFF  }
0xc4: {  	(tm) =	ssettm $0x7FFFFFFF  }
0xc5: {  	_ =	shalt  }
tec
execute0_lowered:
.L_overlay_start_1:
0x0: {  	(tag) =	ssettag $0x1  }
0x1: {  	s5 =	rddreg [dreg:$0x0]  }
0x2: {  	s6 =	rddreg [dreg:$0x1]  }
0x3: {  	s1 =	rddreg [dreg:$0x2]  }
0x4: {  	s3 =	rddreg [dreg:$0x3]  }
0x5: {  	s0 =	rddreg [dreg:$0x4]  }
0x6: {  	s4 =	simm.s32 $0x0;
	s2 =	stileid.u32;
	s7 =	srdreg.scid  }
0x7: {  	s18 =	simm.s32 $0x1080;
	s19 =	simm.s32 $0x0;
	[smem:$0x7FF] =	sst s4  }
0x8: {  	s9 =	sand.u32 $0x1, s7;
	s23 =	smul.u32 $0x2710, s2;
	s8 =	sshll.u32 s2, $0x8  }
0x9: {  	s11 =	smul.u32 $0x4E20, s2;
	s12 =	sshll.u32 s2, $0xA;
	s16 =	sshll.u32 s2, $0x6  }
0xa: {  	p0 =	seq.s32 s2, $0x0;
	s7 =	simm.s32 $0x28;
	s24 =	smul.u32 $0x4E200, s9  }
0xb: {  	s10 =	sshll.u32 s9, $0x7;
	_ =	strace $0x8000004A;
	s13 =	smul.u32 $0x27100, s9  }
0xc: {  	s12 =	sadd.s32 s12, s5;
	s15 =	ssub.s32 $0x2, s9;
	s7 =	simm.s32 @!p0 $0x27  }
0xd: {  	s30 =	sshll.u32 s9, $0x9;
	s8 =	sor.u32 s10, s8;
	s25 =	sshrl.u32 s23, $0x3  }
0xe: {  	s26 =	sshrl.u32 s15, $0x1;
	s28 =	sshrl.u32 s11, $0x3;
	s17 =	sadd.s32 s11, s1  }
0xf: {  	s29 =	sadd.s32 s23, s3;
	s31 =	sadd.s32 s30, s12;
	s8 =	sshrl.u32 s8, $0x3  }
0x10: {  	s10 =	sadd.s32 s11, s24;
	s13 =	sadd.s32 s23, s13;
	s15 =	ssub.s32 s15, s26  }
0x11: {  	s14 =	sadd.s32 s8, s5;
	s8 =	sadd.s32 s25, s5;
	s10 =	sshrl.u32 s10, $0x3  }
0x12: {  	s13 =	sshrl.u32 s13, $0x3;
	s11 =	smax.u32 s15, $0x1;
	s15 =	simm.s32 $0x1  }
0x13: {  	s10 =	sadd.s32 s10, s5;
	s13 =	sadd.s32 s13, s5;
	s5 =	sadd.s32 s6, s28  }
0x14: {  	s6 =	sor.u32 $0x1C01, s16;
	s8 =	sadd.s32 $0x52200, s8;
	s12 =	sadd.s32 $0x57200, s14  }
0x15: {  	s14 =	sshrl.u32 s17, $0x3;
	s16 =	sshrl.u32 s29, $0x3;
	s17 =	simm.s32 $0x80  }
0x16: {  	v0 =	vimm.f32 $1.000000000e+00;
	s9 =	sadd.s32 $0x5C200, s10;
	s10 =	sadd.s32 $0x6FC00, s13;
	s13 =	sadd.s32 $0xF8600, s31  }
.LBB2_1:
0x17: {  	s20 =	simm.s32 $0x40;
	s21 =	simm.s32 $0x0  }
.LBB2_2:
0x18: {  	p0 =	sne.s32 s20, $0x1FC0;
	[tilespmem:s21+$0x1080] =	vst v0;
	s21 =	smov.u32 s20;
	s20 =	sadd.s32 $0x40, s20  }
.Ltmp0:
0x19: {  	(pc) =	sbr.rel @p0 .LBB2_2-.Ltmp0, $2  }
0x1a: {  	_ =	sdelay $0x2  }
0x1b: {  	s21 =	sshra.s32 s21, $0x2  }
0x1c: {  	[tilespmem:s21+$0x1080] =	vst v0  }
0x1d: {  	[spmem:s14], [sflag:s6] =	dma.local [hbm:s5], $0x9C4  }
0x1e: {  	_ =	swait.ge [sflag:s15], $0x9C4  }
0x1f: {  	[sflag:s15] =	ssyncset.done $0x0  }
0x20: {  	[sflag:s15] =	ssyncadd.s32 $0xFFFFF63C  }
0x21: {  	[spmem:s16], [sflag:s6] =	dma.local [hbm:s8], $0x4E2  }
0x22: {  	_ =	swait.ge [sflag:s15], $0x4E2  }
0x23: {  	[sflag:s15] =	ssyncset.done $0x0  }
0x24: {  	[sflag:s15] =	ssyncadd.s32 $0xFFFFFB1E  }
0x25: {  	[bflag:$0x0] =	sbarrier.arrive $0xFFFF  }
0x26: {  	[tilespmem:s4], [sflag:$0x1] =	stream.linear.gather [hbm4b:s12+s4], $0x80, $0x38;
	[tilespmem:$0x8DB0] =	vst v63  }
0x27: {  	_ =	swait.ge [sflag:s15], $0x80  }
0x28: {  	[sflag:s15] =	ssyncset.done $0x0  }
0x29: {  	[sflag:s15] =	ssyncadd.s32 $0xFFFFFF80  }
0x2a: {  	[tilespmem:s17], [sflag:$0x1] =	stream.linear.gather [hbm4b:s13+s4], $0x1000, $0x38;
	[tilespmem:$0x8DB0] =	vst v63  }
0x2b: {  	_ =	swait.ge [sflag:s15], $0x1000  }
0x2c: {  	[sflag:s15] =	ssyncset.done $0x0  }
0x2d: {  	[sflag:s15] =	ssyncadd.s32 $0xFFFFF000  }
0x2e: {  	[spmem:s1] =	stream.indirect.scatter.add.f32 [tilespmem:s17], [sflag:$0x1], $0x20, s4, s17, $0xb8;
	[tilespmem:$0x8DB0] =	vst v63  }
0x2f: {  	p0 =	sne.s32 s7, $0x1;
	_ =	swait.ge [sflag:s15], $0x1000  }
.Ltmp1:
0x30: {  	[sflag:s15] =	ssyncset.done $0x0;
	(pc) =	sbr.rel @!p0 .LBB2_5-.Ltmp1, $4  }
0x31: {  	[sflag:s15] =	ssyncadd.s32 $0xFFFFF000  }
0x32: {  	[spmem:s3] =	stream.indirect.scatter.add.f32 [tilespmem:s18], [sflag:$0x1], $0x10, s4, s17, $0xb8;
	[tilespmem:$0x8DB0] =	vst v63  }
0x33: {  	s20 =	sadd.s32 $0xFFFFFFFF, s7;
	_ =	swait.ge [sflag:s15], $0x800  }
0x34: {  	s21 =	smov.u32 s12;
	s22 =	smov.u32 s13;
	[sflag:s15] =	ssyncset.done $0x0  }
.LBB2_4:
0x35: {  	[sflag:s15] =	ssyncadd.s32 $0xFFFFF800;
	s21 =	sadd.s32 $0x200, s21;
	s22 =	sadd.s32 $0x4000, s22  }
0x36: {  	[tilespmem:s4], [sflag:$0x1] =	stream.linear.gather [hbm4b:s21+s4], $0x80, $0x38;
	[tilespmem:$0x8DB0] =	vst v63  }
0x37: {  	p0 =	sne.s32 s20, $0x1;
	s20 =	sadd.s32 $0xFFFFFFFF, s20;
	_ =	swait.ge [sflag:s15], $0x80  }
0x38: {  	[sflag:s15] =	ssyncset.done $0x0  }
0x39: {  	[sflag:s15] =	ssyncadd.s32 $0xFFFFFF80  }
0x3a: {  	[tilespmem:s17], [sflag:$0x1] =	stream.linear.gather [hbm4b:s22+s4], $0x1000, $0x38;
	[tilespmem:$0x8DB0] =	vst v63  }
0x3b: {  	_ =	swait.ge [sflag:s15], $0x1000  }
0x3c: {  	[sflag:s15] =	ssyncset.done $0x0  }
0x3d: {  	[sflag:s15] =	ssyncadd.s32 $0xFFFFF000  }
0x3e: {  	[spmem:s1] =	stream.indirect.scatter.add.f32 [tilespmem:s17], [sflag:$0x1], $0x20, s4, s17, $0xb8;
	[tilespmem:$0x8DB0] =	vst v63  }
0x3f: {  	_ =	swait.ge [sflag:s15], $0x1000  }
.Ltmp2:
0x40: {  	[sflag:s15] =	ssyncset.done $0x0;
	(pc) =	sbr.rel @p0 .LBB2_4-.Ltmp2, $4  }
0x41: {  	[sflag:s15] =	ssyncadd.s32 $0xFFFFF000  }
0x42: {  	[spmem:s3] =	stream.indirect.scatter.add.f32 [tilespmem:s18], [sflag:$0x1], $0x10, s4, s17, $0xb8;
	[tilespmem:$0x8DB0] =	vst v63  }
0x43: {  	_ =	swait.ge [sflag:s15], $0x800  }
0x44: {  	[sflag:s15] =	ssyncset.done $0x0  }
.LBB2_5:
0x45: {  	[sflag:s15] =	ssyncadd.s32 $0xFFFFF800  }
0x46: {  	[bflag:$0x0] =	sbarrier.arrive $0xFFFF  }
0x47: {  	[hbm:s9], [sflag:s6] =	dma.local [spmem:s14], $0x9C4  }
0x48: {  	s19 =	sadd.s32 $0x1, s19;
	_ =	swait.ge [sflag:s15], $0x9C4  }
0x49: {  	p0 =	sne.s32 s19, s11;
	[sflag:s15] =	ssyncset.done $0x0  }
.Ltmp3:
0x4a: {  	[sflag:s15] =	ssyncadd.s32 $0xFFFFF63C;
	(pc) =	sbr.rel @p0 .LBB2_1-.Ltmp3, $4  }
0x4b: {  	[hbm:s10], [sflag:s6] =	dma.local [spmem:s16], $0x4E2  }
0x4c: {  	_ =	swait.ge [sflag:s15], $0x4E2  }
0x4d: {  	[sflag:s15] =	ssyncset.done $0x0  }
0x4e: {  	[sflag:s15] =	ssyncadd.s32 $0xFFFFFB1E  }
0x4f: {  	_ =	sfence.sel $0x180000  }
0x50: {  	[bflag:$0x0] =	sbarrier.arrive $0xFFFF  }
0x51: {  	p0 =	sne.s32 s2, $0x0;
	_ =	strace $0x9000004A  }
0x52: {  	s0 =	sadd.s32 @!p0 $0x100000, s0;
	[bflag:$0x2] =	sbarrier.arrive $0xFFFF  }
0x53: {  	[sflag:s0] =	ssyncadd.tile.s32 @!p0 $0x1;
	_ =	shalt  }
.Lfunc_end2:
_tile_overlayer_lowered:
.L_overlay_start_2:
0x54: {  	(tag) =	ssettag $0x2  }
0x55: {  	s0 =	rddreg [dreg:$0x0];
	s2 =	stileid.u32  }
0x56: {  	s1 =	rddreg [dreg:$0x1];
	p0 =	sne.s32 s2, $0x0  }
0x57: {  	s3 =	rddreg [dreg:$0x2];
	[bflag:$0x3] =	sbarrier.arrive $0xFFFF;
	s2 =	simm.s32 @!p0 $0x1C01  }
0x58: {  	[timem:s3], [sflag:s2] =	dma.local @!p0 [hbm:s0], s1  }
0x59: {  	s0 =	simm.s32 @!p0 $0x1  }
0x5a: {  	_ =	swait.ge @!p0 [sflag:s0], s1  }
0x5b: {  	s1 =	ssub.s32 @!p0 $0x0, s1;
	[sflag:s0] =	ssyncset.done @!p0 $0x0  }
0x5c: {  	[sflag:s0] =	ssyncadd.s32 @!p0 s1  }
0x5d: {  	[bflag:$0x3] =	sbarrier.arrive $0xFFFF  }
0x5e: {  	_ =	shalt  }

// kernel: kernel.7.cloned.1.call-start
scs
__scs_entry_jumppad:
0x0: {  	(pc) =	sbr.rel $0x88, $3  }
0x1: {  	(tag) =	ssettag $0x0;
	lr =	simm.s32 $0x1  }
0x2: {  	[smem:$0x3F8F] =	sst lr;
	_ =	strace $0xD0000000  }
0x3: {  	_ = 	snop  }
0x4: {  	_ = 	snop  }
0x5: {  	_ = 	snop  }
0x6: {  	_ = 	snop  }
0x7: {  	_ = 	snop  }
__scs_overlays_trampoline_lowered:
0x8: {  	[smem:$0x3F9E] =	sst s0  }
0x9: {  	[smem:$0x3F9F] =	sst s1  }
0xa: {  	[smem:$0x3FA0] =	sst s2  }
0xb: {  	[smem:$0x3FA1] =	sst s3  }
0xc: {  	[smem:$0x3FA2] =	sst s4  }
0xd: {  	[smem:$0x3FA3] =	sst s5  }
0xe: {  	[smem:$0x3FA4] =	sst s6  }
0xf: {  	[smem:$0x3FA5] =	sst s7  }
0x10: {  	[smem:$0x3FA6] =	sst s8  }
0x11: {  	[smem:$0x3FA7] =	sst s9;
	s0 =	simm.s32 @!p0 $0x0  }
0x12: {  	s1 =	sld [smem:$0x3F8D];
	s0 =	simm.s32 @p0 $0x1  }
0x13: {  	[smem:$0x3FA8] =	sst s0;
	s0 =	simm.s32 @!p1 $0x0  }
0x14: {  	s2 =	sld [smem:$0x3F8C];
	s0 =	simm.s32 @p1 $0x1  }
0x15: {  	[smem:$0x3FA9] =	sst s0;
	s0 =	simm.s32 @!p2 $0x0  }
0x16: {  	s3 =	sld [smem:$0x3FDB];
	s0 =	simm.s32 @p2 $0x1  }
0x17: {  	s4 =	simm.s32 $0x1BF5;
	[smem:$0x3FAB] =	sst s0  }
0x18: {  	s0 =	sld [smem:$0x3F8E];
	_ =	swait.ge [sflag:s4], $0x0  }
0x19: {  	s7 =	sld [smem:$0x3F8F]  }
0x1a: {  	s8 =	sadd.s32 $0xFFFFE003, lr  }
0x1b: {  	s9 =	sadd.s32 $0xFFFFFEF7, lr;
	s5 =	simm.s32 $0xFFFFFFFF;
	p2 =	slt.u32 s8, $0xFFFFF086  }
0x1c: {  	p1 =	slt.u32 s9, $0xF7A;
	s5 =	simm.s32 @!p2 $0x0  }
0x1d: {  	s5 =	simm.s32 @p1 $0x1;
	p0 =	seq.s32 s7, s2  }
0x1e: {  	s7 =	smul.u32 @!p0 $0xF7A, s2;
	p2 =	seq.s32 @!p0 s5, $0x0  }
0x1f: {  	s9 =	smul.u32 $0xF7A, s1;
	s8 =	simm.s32 @!p0 $0x1BF5;
	p2 =	por !p2, p0  }
0x20: {  	[sflag:s8] =	ssyncset.s32 @!p0 $0xFFFFF086;
	s6 =	sadd.s32 @!p0 s3, s7;
	s7 =	simm.s32 @!p0 $0x108  }
0x21: {  	s3 =	sadd.s32 s3, s9;
	s6 =	sadd.s32 @!p0 $0x88, s6;
	s7 =	simm.s32 @p2 $0x1082  }
0x22: {  	[simem:s7], [sflag:s8] =	dma.local @!p0 [hbm:s6], $0xF7A  }
0x23: {  	s9 =	sor.u32 $0xD0000000, s2;
	s6 =	simm.s32 $0x108;
	_ =	swait.ge @!p0 [sflag:s8], $0x0  }
0x24: {  	s3 =	sadd.s32 $0x88, s3;
	s6 =	simm.s32 @!p1 $0x1082;
	[sflag:s4] =	ssyncset.s32 $0xFFFFF086  }
0x25: {  	[simem:s6], [sflag:s4] =	dma.local [hbm:s3], $0xF7A  }
0x26: {  	[smem:$0x3F8F] =	sst s1;
	(tag) =	ssettag s2;
	_ =	strace s9  }
0x27: {  	s1 =	sld [smem:$0x3F9F]  }
0x28: {  	s2 =	sld [smem:$0x3FA0]  }
0x29: {  	s4 =	sld [smem:$0x3FA2]  }
0x2a: {  	p0 =	seq.s32 s5, $0x0;
	s5 =	sld [smem:$0x3FA3]  }
0x2b: {  	s6 =	sld [smem:$0x3FA4]  }
0x2c: {  	s7 =	sld [smem:$0x3FA5]  }
0x2d: {  	s3 =	simm.s32 $0x108;
	s8 =	sld [smem:$0x3FA6]  }
0x2e: {  	s3 =	simm.s32 @!p0 $0x1082;
	s9 =	sld [smem:$0x3FA7]  }
0x2f: {  	lr =	sadd.s32 s0, s3;
	s0 =	sld [smem:$0x3F9E]  }
0x30: {  	s3 =	sld [smem:$0x3FA1]  }
0x31: {  	[smem:$0x3FAA] =	sst s10  }
0x32: {  	s10 =	sld [smem:$0x3FA8];
	_ =	sdelay $0x3  }
0x33: {  	p0 =	seq.s32 s10, $0x1;
	s10 =	sld [smem:$0x3FAA];
	_ =	sdelay $0x3  }
0x34: {  	[smem:$0x3FAA] =	sst s10  }
0x35: {  	s10 =	sld [smem:$0x3FA9];
	_ =	sdelay $0x3  }
0x36: {  	p1 =	seq.s32 s10, $0x1;
	s10 =	sld [smem:$0x3FAA];
	_ =	sdelay $0x3  }
0x37: {  	[smem:$0x3FAA] =	sst s10  }
0x38: {  	s10 =	sld [smem:$0x3FAB]  }
0x39: {  	_ = 	snop;
	(pc) =	sbr.ind lr, $3  }
0x3a: {  	_ = 	snop  }
0x3b: {  	_ = 	snop  }
0x3c: {  	p2 =	seq.s32 s10, $0x1;
	s10 =	sld [smem:$0x3FAA]  }
0x3d: {  	_ =	shalt  }
0x3e: {  	_ =	shalt  }
0x3f: {  	_ =	shalt  }
0x40: {  	_ =	shalt  }
0x41: {  	_ =	shalt  }
0x42: {  	_ =	shalt  }
0x43: {  	_ =	shalt  }
0x44: {  	_ =	shalt  }
0x45: {  	_ =	shalt  }
0x46: {  	_ =	shalt  }
0x47: {  	_ =	shalt  }
0x48: {  	_ =	shalt  }
0x49: {  	_ =	shalt  }
0x4a: {  	_ =	shalt  }
0x4b: {  	_ =	shalt  }
0x4c: {  	_ =	shalt  }
0x4d: {  	_ =	shalt  }
0x4e: {  	_ =	shalt  }
0x4f: {  	_ =	shalt  }
0x50: {  	_ =	shalt  }
0x51: {  	_ =	shalt  }
0x52: {  	_ =	shalt  }
0x53: {  	_ =	shalt  }
0x54: {  	_ =	shalt  }
0x55: {  	_ =	shalt  }
0x56: {  	_ =	shalt  }
0x57: {  	_ =	shalt  }
0x58: {  	_ =	shalt  }
0x59: {  	_ =	shalt  }
0x5a: {  	_ =	shalt  }
0x5b: {  	_ =	shalt  }
0x5c: {  	_ =	shalt  }
0x5d: {  	_ =	shalt  }
0x5e: {  	_ =	shalt  }
0x5f: {  	_ =	shalt  }
0x60: {  	_ =	shalt  }
0x61: {  	_ =	shalt  }
0x62: {  	_ =	shalt  }
0x63: {  	_ =	shalt  }
0x64: {  	_ =	shalt  }
0x65: {  	_ =	shalt  }
0x66: {  	_ =	shalt  }
0x67: {  	_ =	shalt  }
0x68: {  	_ =	shalt  }
0x69: {  	_ =	shalt  }
0x6a: {  	_ =	shalt  }
0x6b: {  	_ =	shalt  }
0x6c: {  	_ =	shalt  }
0x6d: {  	_ =	shalt  }
0x6e: {  	_ =	shalt  }
0x6f: {  	_ =	shalt  }
0x70: {  	_ =	shalt  }
0x71: {  	_ =	shalt  }
0x72: {  	_ =	shalt  }
0x73: {  	_ =	shalt  }
0x74: {  	_ =	shalt  }
0x75: {  	_ =	shalt  }
0x76: {  	_ =	shalt  }
0x77: {  	_ =	shalt  }
0x78: {  	_ =	shalt  }
0x79: {  	_ =	shalt  }
0x7a: {  	_ =	shalt  }
0x7b: {  	_ =	shalt  }
0x7c: {  	_ =	shalt  }
0x7d: {  	_ =	shalt  }
0x7e: {  	_ =	shalt  }
0x7f: {  	_ =	shalt  }
0x80: {  	_ =	shalt  }
0x81: {  	_ =	shalt  }
0x82: {  	_ =	shalt  }
0x83: {  	_ =	shalt  }
0x84: {  	_ =	shalt  }
0x85: {  	_ =	shalt  }
0x86: {  	_ =	shalt  }
0x87: {  	_ =	shalt  }
.Lfunc_end0:
.L_simem_size_0:
called_computation_lowered:
.L_overlay_start_0:
0x88: {  	s2 =	sld [smem:$0x3FD9]  }
0x89: {  	s3 =	sld [smem:$0x3FFE];
	_ =	sdelay $0x1  }
0x8a: {  	s1 =	srdreg.scid  }
0x8b: {  	s0 =	sand.u32 $0x1, s1  }
0x8c: {  	s17 =	sshll.u32 s0, $0xA;
	s2 =	sadd.s32 s3, s2  }
0x8d: {  	s2 =	sadd.s32 s2, s17  }
0x8e: {  	[smem:$0x3FB6] =	sst s2  }
0x8f: {  	_ = 	snop  }
0x90: {  	s2 =	sld [smem:$0x3FD0];
	(tm) =	ssettm $0x1  }
0x91: {  	s18 =	sld [smem:$0x3FFB];
	_ =	sdelay $0x3  }
0x92: {  	_ =	strace s18  }
0x93: {  	s3 =	sld [smem:$0x3FFC];
	_ =	sdelay $0x3  }
0x94: {  	_ =	strace s3  }
0x95: {  	s3 =	sld [smem:$0x3FFD];
	_ =	sdelay $0x3  }
0x96: {  	_ =	strace s3  }
0x97: {  	_ =	strace $0x8FFFFFFF  }
0x98: {  	s19 =	sld [smem:$0x3FDB];
	_ =	sdelay $0x1  }
0x99: {  	s4 =	simm.s32 $_scs_section_size  }
0x9a: {  	s5 =	simm.s32 $_size__tile_overlayer_lowered;
	s6 =	simm.s32 $_tile_overlayer_lowered  }
0x9b: {  	s22 =	simm.s32 $0x1BFF;
	s21 =	sshll.u32 s6, $0x1;
	s3 =	sadd.s32 s4, s19  }
0x9c: {  	s7 =	simm.s32 $0x0;
	s20 =	sshll.u32 s5, $0x1;
	s5 =	sadd.s32 s21, s3  }
0x9d: {  	[timem:s7], [sflag:s22] =	dma.local [hbm:s5], s20  }
0x9e: {  	_ =	swait.ge [sflag:s22], s20  }
0x9f: {  	s4 =	ssub.s32 $0x0, s20;
	[sflag:s22] =	ssyncset.done $0x0  }
0xa0: {  	[sflag:s22] =	ssyncadd.s32 s4;
	_ =	sdelay $0x1  }
0xa1: {  	s23 =	simm.s32 $0x1B8B  }
0xa2: {  	_ =	swait.ge [sflag:s23], $0x1  }
0xa3: {  	[sflag:s23] =	ssyncset.done $0x0  }
0xa4: {  	s25 =	simm.s32 $0x1B8E;
	s24 =	sld [smem:$0x3FFE];
	[sflag:s23] =	ssyncadd.s32 $0xFFFFFFFF  }
0xa5: {  	s26 =	simm.s32 $execute0_lowered;
	[smem:$0x3FD2] =	sst s25  }
0xa6: {  	s5 =	sshll.u32 s26, $0x1;
	_ =	strace $0x80000046;
	[dreg:$0x1] =	wrdreg $0xFFFFFFFF  }
0xa7: {  	s28 =	simm.s32 $_size_execute0_lowered;
	s3 =	sadd.s32 s3, s5;
	[dreg:$0x0] =	wrdreg $0x0  }
0xa8: {  	s5 =	sshll.u32 s28, $0x1;
	[dreg:$0x2] =	wrdreg s3  }
0xa9: {  	[dreg:$0x3] =	wrdreg s5  }
0xaa: {  	[dreg:$0x4] =	wrdreg $0xC0  }
0xab: {  	_ =	task [dreg:s7], $0x5FFFF  }
0xac: {  	[dreg:$0x1] =	wrdreg $0xFFFFFFFF  }
0xad: {  	[dreg:$0x0] =	wrdreg $0x60  }
0xae: {  	[dreg:$0x2] =	wrdreg s2  }
0xaf: {  	[dreg:$0x3] =	wrdreg s24  }
0xb0: {  	[dreg:$0x4] =	wrdreg $0x9  }
0xb1: {  	_ =	task.clear_ibuf [dreg:s7], $0x5FFFF;
	_ =	strace $0x90000046  }
0xb2: {  	s29 =	simm.s32 $0x9;
	_ =	strace $0x80000048  }
0xb3: {  	_ =	swait.ge [sflag:s29], $0x1  }
0xb4: {  	[sflag:s29] =	ssyncadd.s32 $0xFFFFFFFF  }
0xb5: {  	_ =	strace $0x90000048  }
0xb6: {  	_ =	sfence  }
0xb7: {  	s30 =	sld [smem:$0x0];
	_ =	sdelay $0x2  }
0xb8: {  	s31 =	sshll.u32 s1, $0xD;
	s1 =	sshrl.u32 s1, $0x2  }
0xb9: {  	s3 =	sand.u32 $0x4000, s31;
	s1 =	sadd.s32 s1, s30  }
0xba: {  	s0 =	sor.u32 s3, s0;
	s1 =	sshll.u32 s1, $0x11  }
0xbb: {  	s0 =	sor.u32 s1, s0  }
0xbc: {  	s0 =	sadd.s32 $0x8F2B, s0  }
0xbd: {  	[sflag:s0] =	ssyncadd.remote.s32 $0x1  }
0xbe: {  	_ =	sfence.sel $0xFFFF  }
0xbf: {  	[dreg:$0x0] =	wrdreg $0xFFFFFFFF;
	(pc) =	sbr.abs _section_cstart, $3  }
0xc0: {  	[dreg:$0x1] =	wrdreg $0xFFFFFFFF  }
0xc1: {  	_ =	task.clear_ibuf [dreg:s7], $0x2FFFF;
	_ =	strace $0x9FFFFFFF  }
0xc2: {  	(tm) =	ssettm $0x7FFFFFFF  }
0xc3: {  	_ =	shalt  }
tec
execute0_lowered:
.L_overlay_start_1:
0x0: {  	(tag) =	ssettag $0x1  }
0x1: {  	s1 =	rddreg [dreg:$0x0]  }
0x2: {  	s4 =	rddreg [dreg:$0x1]  }
0x3: {  	s0 =	rddreg [dreg:$0x2];
	s5 =	srdreg.scid  }
0x4: {  	s3 =	simm.s32 $0x0;
	s2 =	stileid.u32;
	s10 =	simm.s32 $0x1  }
0x5: {  	s11 =	simm.s32 $0x0;
	s5 =	sand.u32 $0x1, s5;
	[smem:$0x7FF] =	sst s3  }
0x6: {  	s6 =	sshll.u32 s2, $0x8;
	s8 =	sshll.u32 s2, $0xA;
	p0 =	seq.s32 s2, $0x0  }
0x7: {  	s7 =	sshll.u32 s5, $0x7;
	_ =	strace $0x80000047;
	s29 =	ssub.s32 $0x2, s5  }
0x8: {  	s8 =	sadd.s32 s8, s4;
	s30 =	sshll.u32 s5, $0x9;
	s6 =	sor.u32 s7, s6  }
0x9: {  	s9 =	sshrl.u32 s29, $0x1;
	s31 =	sadd.s32 s30, s8;
	s8 =	simm.s32 $0x2  }
0xa: {  	s6 =	sshrl.u32 s6, $0x3;
	s7 =	ssub.s32 s29, s9;
	s9 =	simm.s32 $0x80  }
0xb: {  	s6 =	sadd.s32 s6, s4;
	s4 =	simm.s32 $0x28;
	s5 =	smax.u32 s7, $0x1  }
0xc: {  	s7 =	sadd.s32 $0x5C200, s31;
	s4 =	simm.s32 @!p0 $0x27;
	s6 =	sadd.s32 $0x52200, s6  }
.LBB2_1:
0xd: {  	[tilespmem:s3], [sflag:$0x2] =	stream.linear.gather [hbm4b:s6+s3], $0x80, $0x38;
	[tilespmem:$0x1080] =	vst v63  }
0xe: {  	_ =	swait.ge [sflag:s8], $0x80  }
0xf: {  	[sflag:s8] =	ssyncset.done $0x0  }
0x10: {  	[sflag:s8] =	ssyncadd.s32 $0xFFFFFF80  }
0x11: {  	[tilespmem:s9], [sflag:$0x1] =	stream.indirect.gather [hbm4b:s1+s9], $0x20, s3, s9, $0xb8;
	[tilespmem:$0x1080] =	vst v63  }
0x12: {  	p0 =	sne.s32 s4, $0x1;
	_ =	swait.ge [sflag:s10], $0x1000  }
.Ltmp0:
0x13: {  	[sflag:s10] =	ssyncset.done $0x0;
	(pc) =	sbr.rel @!p0 .LBB2_3-.Ltmp0, $4  }
0x14: {  	[sflag:s10] =	ssyncadd.s32 $0xFFFFF000  }
0x15: {  	[hbm4b:s7+s3] =	stream.linear.scatter [tilespmem:s9], [sflag:$0x2], $0x1000, $0x38;
	[tilespmem:$0x1080] =	vst v63  }
0x16: {  	s12 =	sadd.s32 $0xFFFFFFFF, s4;
	_ =	swait.ge [sflag:s8], $0x1000  }
0x17: {  	s13 =	smov.u32 s6;
	s14 =	smov.u32 s7;
	[sflag:s8] =	ssyncset.done $0x0  }
.LBB2_2:
0x18: {  	[sflag:s8] =	ssyncadd.s32 $0xFFFFF000;
	s13 =	sadd.s32 $0x200, s13;
	s14 =	sadd.s32 $0x4000, s14  }
0x19: {  	[tilespmem:s3], [sflag:$0x2] =	stream.linear.gather [hbm4b:s13+s3], $0x80, $0x38;
	[tilespmem:$0x1080] =	vst v63  }
0x1a: {  	p0 =	sne.s32 s12, $0x1;
	s12 =	sadd.s32 $0xFFFFFFFF, s12;
	_ =	swait.ge [sflag:s8], $0x80  }
0x1b: {  	[sflag:s8] =	ssyncset.done $0x0  }
0x1c: {  	[sflag:s8] =	ssyncadd.s32 $0xFFFFFF80  }
0x1d: {  	[tilespmem:s9], [sflag:$0x1] =	stream.indirect.gather [hbm4b:s1+s9], $0x20, s3, s9, $0xb8;
	[tilespmem:$0x1080] =	vst v63  }
0x1e: {  	_ =	swait.ge [sflag:s10], $0x1000  }
.Ltmp1:
0x1f: {  	[sflag:s10] =	ssyncset.done $0x0;
	(pc) =	sbr.rel @p0 .LBB2_2-.Ltmp1, $4  }
0x20: {  	[sflag:s10] =	ssyncadd.s32 $0xFFFFF000  }
0x21: {  	[hbm4b:s14+s3] =	stream.linear.scatter [tilespmem:s9], [sflag:$0x2], $0x1000, $0x38;
	[tilespmem:$0x1080] =	vst v63  }
0x22: {  	_ =	swait.ge [sflag:s8], $0x1000  }
0x23: {  	[sflag:s8] =	ssyncset.done $0x0  }
.LBB2_3:
0x24: {  	s11 =	sadd.s32 $0x1, s11  }
0x25: {  	p0 =	sne.s32 s11, s5  }
.Ltmp2:
0x26: {  	_ = 	snop;
	(pc) =	sbr.rel @p0 .LBB2_1-.Ltmp2, $2  }
0x27: {  	_ =	sdelay $0x2  }
0x28: {  	[sflag:s8] =	ssyncadd.s32 $0xFFFFF000  }
0x29: {  	_ =	sfence.sel $0x180000  }
0x2a: {  	[bflag:$0x0] =	sbarrier.arrive $0xFFFF  }
0x2b: {  	p0 =	sne.s32 s2, $0x0;
	_ =	strace $0x90000047  }
0x2c: {  	s0 =	sadd.s32 @!p0 $0x100000, s0;
	[bflag:$0x2] =	sbarrier.arrive $0xFFFF  }
0x2d: {  	[sflag:s0] =	ssyncadd.tile.s32 @!p0 $0x1;
	_ =	shalt  }
.Lfunc_end2:
_tile_overlayer_lowered:
.L_overlay_start_2:
0x2e: {  	(tag) =	ssettag $0x2  }
0x2f: {  	s0 =	rddreg [dreg:$0x0];
	s2 =	stileid.u32  }
0x30: {  	s1 =	rddreg [dreg:$0x1];
	p0 =	sne.s32 s2, $0x0  }
0x31: {  	s3 =	rddreg [dreg:$0x2];
	[bflag:$0x3] =	sbarrier.arrive $0xFFFF;
	s2 =	simm.s32 @!p0 $0x1C02  }
0x32: {  	[timem:s3], [sflag:s2] =	dma.local @!p0 [hbm:s0], s1  }
0x33: {  	s0 =	simm.s32 @!p0 $0x2  }
0x34: {  	_ =	swait.ge @!p0 [sflag:s0], s1  }
0x35: {  	s1 =	ssub.s32 @!p0 $0x0, s1;
	[sflag:s0] =	ssyncset.done @!p0 $0x0  }
0x36: {  	[sflag:s0] =	ssyncadd.s32 @!p0 s1  }
0x37: {  	[bflag:$0x3] =	sbarrier.arrive $0xFFFF  }
0x38: {  	_ =	shalt  }

</sc_bundles>
